<compile_context>
chip_gen: v7x
topology: tpu7x:2x2x1
jax: 0.10.2.dev20260603
libtpu: 0.0.44.dev20260713+nightly
codegen_flags: <defaults>
</compile_context>

<pallas_src>
import functools

import jax
import jax.numpy as jnp
from jax import lax
from jax.experimental import pallas as pl
from jax.experimental.pallas import tpu as pltpu
from jax.experimental.pallas import tpu_sc as plsc

F32 = jnp.float32
N = 10000
DIN = 128
HID = 64
DOUT = 128
NC, NS = 2, 16
CH = 112
NPAD = 10112
RPT = NPAD // NS
DEGW = 16
RB = 400
GR = N // RB

NBUF = 4
NW = NC * NS
NCHUNK = 92
GOUT = NCHUNK // NBUF
EPW = NCHUNK * CH
EPAD = NW * EPW


def _sc_mesh():
    return plsc.VectorSubcoreMesh(
        core_axis_name="c", subcore_axis_name="s",
        num_cores=NC, num_subcores=NS)


def _sc_agg(table, src3, dst3, zeros):
    @functools.partial(
        pl.kernel,
        out_type=jax.ShapeDtypeStruct((NC, NPAD, HID), F32),
        mesh=_sc_mesh(),
        scratch_types=(
            [pltpu.VMEM((NCHUNK, CH), jnp.int32),
             pltpu.VMEM((NCHUNK, CH), jnp.int32)]
            + [pltpu.VMEM((CH, HID), F32)] * NBUF
            + [pltpu.VMEM_SHARED((NPAD, HID), F32),
               pltpu.VMEM_SHARED((NPAD, HID), F32)]
            + [pltpu.SemaphoreType.DMA] * (2 * NBUF)
        ),
        compiler_params=pltpu.CompilerParams(use_tc_tiling_on_sc=False),
    )
    def k(table_h, src_h, dst_h, zeros_h, out_h, sidx, didx, *rest):
        bufs = rest[:NBUF]
        acc = rest[NBUF]
        tab = rest[NBUF + 1]
        gsem = rest[NBUF + 2:2 * NBUF + 2]
        ssem = rest[2 * NBUF + 2:]
        c = lax.axis_index("c")
        s = lax.axis_index("s")
        pltpu.sync_copy(src_h.at[c, s], sidx)
        pltpu.sync_copy(dst_h.at[c, s], didx)
        pltpu.sync_copy(table_h.at[pl.ds(s * RPT, RPT)],
                        tab.at[pl.ds(s * RPT, RPT)])
        pltpu.sync_copy(zeros_h.at[pl.ds(s * RPT, RPT)],
                        acc.at[pl.ds(s * RPT, RPT)])
        plsc.subcore_barrier()

        def group(g, carry):
            j0 = g * NBUF
            gd = [pltpu.async_copy(tab.at[sidx.at[j0 + b]], bufs[b],
                                   gsem[b]) for b in range(NBUF)]
            sd = []
            for b in range(NBUF):
                gd[b].wait()
                sd.append(pltpu.async_copy(bufs[b], acc.at[didx.at[j0 + b]],
                                           ssem[b], add=True))
            for b in range(NBUF):
                sd[b].wait()
            return carry

        lax.fori_loop(0, GOUT, group, 0)

        plsc.subcore_barrier()
        pltpu.sync_copy(acc.at[pl.ds(s * RPT, RPT)],
                        out_h.at[c, pl.ds(s * RPT, RPT)])

    return k(table, src3, dst3, zeros)


def _sc_deg(dst3, zeros, ones):
    @functools.partial(
        pl.kernel,
        out_type=jax.ShapeDtypeStruct((NC, NPAD, DEGW), F32),
        mesh=_sc_mesh(),
        scratch_types=[
            pltpu.VMEM((NCHUNK, CH), jnp.int32),
            pltpu.VMEM((CH, DEGW), F32),
            pltpu.VMEM_SHARED((NPAD, DEGW), F32),
        ] + [pltpu.SemaphoreType.DMA] * NBUF,
        compiler_params=pltpu.CompilerParams(use_tc_tiling_on_sc=False),
    )
    def k(dst_h, zeros_h, ones_h, out_h, didx, onesv, acc, *ssem):
        c = lax.axis_index("c")
        s = lax.axis_index("s")
        pltpu.sync_copy(dst_h.at[c, s], didx)
        pltpu.sync_copy(ones_h, onesv)
        pltpu.sync_copy(zeros_h.at[pl.ds(s * RPT, RPT)],
                        acc.at[pl.ds(s * RPT, RPT)])
        plsc.subcore_barrier()

        def group(g, carry):
            j0 = g * NBUF
            sd = [pltpu.async_copy(onesv, acc.at[didx.at[j0 + b]],
                                   ssem[b], add=True) for b in range(NBUF)]
            for b in range(NBUF):
                sd[b].wait()
            return carry

        lax.fori_loop(0, GOUT, group, 0)

        plsc.subcore_barrier()
        pltpu.sync_copy(acc.at[pl.ds(s * RPT, RPT)],
                        out_h.at[c, pl.ds(s * RPT, RPT)])

    return k(dst3, zeros, ones)


def _tc_mm1(x, W1):
    def body(x_ref, w_ref, o_ref):
        o_ref[...] = lax.dot_general(
            x_ref[...], w_ref[...], (((1,), (1,)), ((), ())),
            preferred_element_type=F32)

    return pl.pallas_call(
        body,
        grid=(GR,),
        in_specs=[pl.BlockSpec((RB, DIN), lambda i: (i, 0)),
                  pl.BlockSpec((HID, DIN), lambda i: (0, 0))],
        out_specs=pl.BlockSpec((RB, HID), lambda i: (i, 0)),
        out_shape=jax.ShapeDtypeStruct((N, HID), F32),
    )(x, W1)


def _tc_scale(h1, dacc):
    def body(h_ref, d_ref, hs_ref, dinv_ref):
        deg = 1.0 + d_ref[0, :, 0:1] + d_ref[1, :, 0:1]
        dinv = lax.rsqrt(deg)
        dinv_ref[...] = dinv
        hs_ref[...] = h_ref[...] * dinv

    return pl.pallas_call(
        body,
        grid=(GR,),
        in_specs=[pl.BlockSpec((RB, HID), lambda i: (i, 0)),
                  pl.BlockSpec((NC, RB, DEGW), lambda i: (0, i, 0))],
        out_specs=[pl.BlockSpec((RB, HID), lambda i: (i, 0)),
                   pl.BlockSpec((RB, 1), lambda i: (i, 0))],
        out_shape=[jax.ShapeDtypeStruct((N, HID), F32),
                   jax.ShapeDtypeStruct((N, 1), F32)],
    )(h1, dacc)


def _tc_mid(acc, hs1, dinv, b1):
    def body(a_ref, hs_ref, dinv_ref, b_ref, o_ref):
        dv = dinv_ref[...]
        a1 = (a_ref[0] + a_ref[1] + hs_ref[...]) * dv
        o_ref[...] = jnp.maximum(a1 + b_ref[...], 0.0) * dv

    return pl.pallas_call(
        body,
        grid=(GR,),
        in_specs=[pl.BlockSpec((NC, RB, HID), lambda i: (0, i, 0)),
                  pl.BlockSpec((RB, HID), lambda i: (i, 0)),
                  pl.BlockSpec((RB, 1), lambda i: (i, 0)),
                  pl.BlockSpec((1, HID), lambda i: (0, 0))],
        out_specs=pl.BlockSpec((RB, HID), lambda i: (i, 0)),
        out_shape=jax.ShapeDtypeStruct((N, HID), F32),
    )(acc, hs1, dinv, b1)


def _tc_out(acc, hs2, dinv, W2, b2):
    def body(a_ref, hs_ref, dinv_ref, w_ref, b_ref, o_ref):
        t = (a_ref[0] + a_ref[1] + hs_ref[...]) * dinv_ref[...]
        o_ref[...] = lax.dot_general(
            t, w_ref[...], (((1,), (1,)), ((), ())),
            preferred_element_type=F32) + b_ref[...]

    return pl.pallas_call(
        body,
        grid=(GR,),
        in_specs=[pl.BlockSpec((NC, RB, HID), lambda i: (0, i, 0)),
                  pl.BlockSpec((RB, HID), lambda i: (i, 0)),
                  pl.BlockSpec((RB, 1), lambda i: (i, 0)),
                  pl.BlockSpec((DOUT, HID), lambda i: (0, 0)),
                  pl.BlockSpec((1, DOUT), lambda i: (0, 0))],
        out_specs=pl.BlockSpec((RB, DOUT), lambda i: (i, 0)),
        out_shape=jax.ShapeDtypeStruct((N, DOUT), F32),
    )(acc, hs2, dinv, W2, b2)


def kernel(x, edge_index, W1, b1, W2, b2):
    src = edge_index[0]
    dst = edge_index[1]
    pad = EPAD - src.shape[0]
    src3 = jnp.concatenate(
        [src, jnp.zeros((pad,), jnp.int32)]).reshape(NC, NS, NCHUNK, CH)
    junk = N + (jnp.arange(pad, dtype=jnp.int32) % (NPAD - N))
    dst3 = jnp.concatenate([dst, junk]).reshape(NC, NS, NCHUNK, CH)
    zeros_h = jnp.zeros((NPAD, HID), F32)
    zeros_d = jnp.zeros((NPAD, DEGW), F32)
    ones_d = jnp.ones((CH, DEGW), F32)

    dacc = _sc_deg(dst3, zeros_d, ones_d)
    h1 = _tc_mm1(x, W1)
    hs1, dinv = _tc_scale(h1, dacc[:, :N, :])
    acc1 = _sc_agg(jnp.pad(hs1, ((0, NPAD - N), (0, 0))), src3, dst3, zeros_h)
    hs2 = _tc_mid(acc1[:, :N, :], hs1, dinv, b1.reshape(1, HID))
    acc2 = _sc_agg(jnp.pad(hs2, ((0, NPAD - N), (0, 0))), src3, dst3, zeros_h)
    out = _tc_out(acc2[:, :N, :], hs2, dinv, W2, b2.reshape(1, DOUT))
    return out

# --- scband reference (transcript-rebuilt; emitter-appended) ---
"""Pipeline reference for scband-gnnmodel-34462817583810 (READ-ONLY COPY).

The authoritative reference and input builder live on the scoring server;
editing this copy changes nothing except your own understanding.
"""

import jax, jax.numpy as jnp
import numpy as np


def gcn_conv(x, W, b, src, dst):
    # Faithful GCNConv: h = D^{-1/2} (A+I) D^{-1/2} (x @ W^T) + b
    n = x.shape[0]
    h = x @ W.T
    self_idx = jnp.arange(n, dtype=src.dtype)
    s = jnp.concatenate([src, self_idx])
    d = jnp.concatenate([dst, self_idx])
    deg = jnp.zeros((n,), dtype=h.dtype).at[d].add(1.0)
    dinv = jnp.where(deg > 0, jax.lax.rsqrt(deg), 0.0)
    norm = dinv[s] * dinv[d]
    msg = h[s] * norm[:, None]
    out = jnp.zeros((n, h.shape[1]), dtype=h.dtype).at[d].add(msg)
    return out + b


def setup_inputs(seed: int = 0):
    key = jax.random.key(seed)
    k1, k2, k3, k4 = jax.random.split(key, 4)
    n, din, hid, dout, E = 10000, 128, 64, 128, 320000
    x = jax.random.normal(k1, (n, din), dtype=jnp.float32)
    edge_index = jax.random.randint(k2, (2, E), 0, n, dtype=jnp.int32)
    # xavier_normal_ init for lin weights (torch weight layout [out, in])
    std1 = (2.0 / (din + hid)) ** 0.5
    std2 = (2.0 / (hid + dout)) ** 0.5
    W1 = jax.random.normal(k3, (hid, din), dtype=jnp.float32) * std1
    W2 = jax.random.normal(k4, (dout, hid), dtype=jnp.float32) * std2
    b1 = jnp.zeros((hid,), dtype=jnp.float32)
    b2 = jnp.zeros((dout,), dtype=jnp.float32)
    return {"x": x, "edge_index": edge_index, "W1": W1, "b1": b1, "W2": W2, "b2": b2}


def reference(x, edge_index, W1, b1, W2, b2):
    src = edge_index[0]
    dst = edge_index[1]
    h = gcn_conv(x, W1, b1, src, dst)
    h = jax.nn.relu(h)
    out = gcn_conv(h, W2, b2, src, dst)
    return out

if __name__ == "__main__":
    import jax
    _d = setup_inputs()
    print(jax.jit(kernel)(*tuple(_d.values())))

</pallas_src>

<mosaic_0001>
#map = affine_map<(d0, d1) -> (0, 0, 0, 0)>
#map1 = affine_map<(d0, d1) -> (0, 0)>
#map2 = affine_map<(d0, d1) -> (0, 0, 0)>
module attributes {stable_mosaic.version = 14 : i64} {
  func.func @k(%arg0: i32, %arg1: i32, %arg2: memref<2x16x92x112xi32, #tpu.memory_space<hbm>>, %arg3: memref<10112x16xf32, #tpu.memory_space<hbm>>, %arg4: memref<112x16xf32, #tpu.memory_space<hbm>>, %arg5: memref<2x10112x16xf32, #tpu.memory_space<hbm>>, %arg6: memref<92x112xi32, #tpu.memory_space<vmem>>, %arg7: memref<112x16xf32, #tpu.memory_space<vmem>>, %arg8: memref<10112x16xf32, #tpu.memory_space<vmem_shared>>, %arg9: memref<!tpu.dma_semaphore, #tpu.memory_space<semaphore_mem>>, %arg10: memref<!tpu.dma_semaphore, #tpu.memory_space<semaphore_mem>>, %arg11: memref<!tpu.dma_semaphore, #tpu.memory_space<semaphore_mem>>, %arg12: memref<!tpu.dma_semaphore, #tpu.memory_space<semaphore_mem>>) attributes {dimension_semantics = [#tpu.dimension_semantics<core_parallel>, #tpu.dimension_semantics<subcore_parallel>], iteration_bounds = array<i64: 2, 16>, scalar_prefetch = 0 : i64, scratch_operands = 7 : i64, tpu.core_type = #tpu.core_type<sc_vector_subcore>, window_params = [{transform_indices = #map}, {transform_indices = #map1}, {transform_indices = #map1}, {transform_indices = #map2}]} {
    "tpu.region"() ({
      %run_scoped3A = tpu.sem_alloc : memref<!tpu.dma_semaphore, #tpu.memory_space<semaphore_mem>>
      %dma_start3A = arith.constant 0 : i32
      %dma_start3A_13 = arith.constant 0 : i32
      %dma_start3A_14 = tpu.memref_slice %arg2[%arg0, %arg1, %dma_start3A, %dma_start3A_13] : memref<2x16x92x112xi32, #tpu.memory_space<hbm>> -> memref<1x1x92x112xi32, #tpu.memory_space<hbm>>
      %dma_start3A_15 = tpu.memref_squeeze %dma_start3A_14 : memref<1x1x92x112xi32, #tpu.memory_space<hbm>> -> memref<92x112xi32, #tpu.memory_space<hbm>>
      %dma_start3A_16 = arith.constant 0 : i32
      %dma_start3A_17 = arith.constant 0 : i32
      %dma_start3A_18 = tpu.memref_slice %arg2[%arg0, %arg1, %dma_start3A_16, %dma_start3A_17] : memref<2x16x92x112xi32, #tpu.memory_space<hbm>> -> memref<1x1x92x112xi32, #tpu.memory_space<hbm>>
      %dma_start3A_19 = tpu.memref_squeeze %dma_start3A_18 : memref<1x1x92x112xi32, #tpu.memory_space<hbm>> -> memref<92x112xi32, #tpu.memory_space<hbm>>
      tpu.enqueue_dma source(%dma_start3A_19 : memref<92x112xi32, #tpu.memory_space<hbm>>) target(%arg6 : memref<92x112xi32, #tpu.memory_space<vmem>>) target_semaphore(%run_scoped3A : memref<!tpu.dma_semaphore, #tpu.memory_space<semaphore_mem>>)
      %dma_wait3A = arith.constant 0 : i32
      %dma_wait3A_20 = arith.constant 0 : i32
      %dma_wait3A_21 = tpu.memref_slice %arg2[%arg0, %arg1, %dma_wait3A, %dma_wait3A_20] : memref<2x16x92x112xi32, #tpu.memory_space<hbm>> -> memref<1x1x92x112xi32, #tpu.memory_space<hbm>>
      %dma_wait3A_22 = tpu.memref_squeeze %dma_wait3A_21 : memref<1x1x92x112xi32, #tpu.memory_space<hbm>> -> memref<92x112xi32, #tpu.memory_space<hbm>>
      %dma_wait3A_23 = arith.constant 0 : i32
      %dma_wait3A_24 = arith.constant 0 : i32
      %dma_wait3A_25 = tpu.memref_slice %arg2[%arg0, %arg1, %dma_wait3A_23, %dma_wait3A_24] : memref<2x16x92x112xi32, #tpu.memory_space<hbm>> -> memref<1x1x92x112xi32, #tpu.memory_space<hbm>>
      %dma_wait3A_26 = tpu.memref_squeeze %dma_wait3A_25 : memref<1x1x92x112xi32, #tpu.memory_space<hbm>> -> memref<92x112xi32, #tpu.memory_space<hbm>>
      tpu.wait_dma2 semaphore(%run_scoped3A : memref<!tpu.dma_semaphore, #tpu.memory_space<semaphore_mem>>) src(%dma_wait3A_26 : memref<92x112xi32, #tpu.memory_space<hbm>>) dst(%arg6 : memref<92x112xi32, #tpu.memory_space<vmem>>)
      tpu.yield
    }) : () -> ()
    "tpu.region"() ({
      %run_scoped3A = tpu.sem_alloc : memref<!tpu.dma_semaphore, #tpu.memory_space<semaphore_mem>>
      tpu.enqueue_dma source(%arg4 : memref<112x16xf32, #tpu.memory_space<hbm>>) target(%arg7 : memref<112x16xf32, #tpu.memory_space<vmem>>) target_semaphore(%run_scoped3A : memref<!tpu.dma_semaphore, #tpu.memory_space<semaphore_mem>>)
      tpu.wait_dma2 semaphore(%run_scoped3A : memref<!tpu.dma_semaphore, #tpu.memory_space<semaphore_mem>>) src(%arg4 : memref<112x16xf32, #tpu.memory_space<hbm>>) dst(%arg7 : memref<112x16xf32, #tpu.memory_space<vmem>>)
      tpu.yield
    }) : () -> ()
    %mul3A = arith.constant 632 : i32
    %mul3A_0 = arith.muli %arg1, %mul3A : i32
    %mul3A_1 = arith.constant 632 : i32
    %mul3A_2 = arith.muli %arg1, %mul3A_1 : i32
    "tpu.region"() ({
      %run_scoped3A = tpu.sem_alloc : memref<!tpu.dma_semaphore, #tpu.memory_space<semaphore_mem>>
      %dma_start3A = arith.constant 0 : i32
      %dma_start3A_13 = tpu.memref_slice %arg8[%mul3A_2, %dma_start3A] : memref<10112x16xf32, #tpu.memory_space<vmem_shared>> -> memref<632x16xf32, #tpu.memory_space<vmem_shared>>
      %dma_start3A_14 = arith.constant 0 : i32
      %dma_start3A_15 = tpu.memref_slice %arg3[%mul3A_0, %dma_start3A_14] : memref<10112x16xf32, #tpu.memory_space<hbm>> -> memref<632x16xf32, #tpu.memory_space<hbm>>
      tpu.enqueue_dma source(%dma_start3A_15 : memref<632x16xf32, #tpu.memory_space<hbm>>) target(%dma_start3A_13 : memref<632x16xf32, #tpu.memory_space<vmem_shared>>) target_semaphore(%run_scoped3A : memref<!tpu.dma_semaphore, #tpu.memory_space<semaphore_mem>>)
      %dma_wait3A = arith.constant 0 : i32
      %dma_wait3A_16 = tpu.memref_slice %arg8[%mul3A_2, %dma_wait3A] : memref<10112x16xf32, #tpu.memory_space<vmem_shared>> -> memref<632x16xf32, #tpu.memory_space<vmem_shared>>
      %dma_wait3A_17 = arith.constant 0 : i32
      %dma_wait3A_18 = tpu.memref_slice %arg3[%mul3A_0, %dma_wait3A_17] : memref<10112x16xf32, #tpu.memory_space<hbm>> -> memref<632x16xf32, #tpu.memory_space<hbm>>
      tpu.wait_dma2 semaphore(%run_scoped3A : memref<!tpu.dma_semaphore, #tpu.memory_space<semaphore_mem>>) src(%dma_wait3A_18 : memref<632x16xf32, #tpu.memory_space<hbm>>) dst(%dma_wait3A_16 : memref<632x16xf32, #tpu.memory_space<vmem_shared>>)
      tpu.yield
    }) : () -> ()
    %barrier3A = arith.constant 0 : index
    tpu.barrier barrier_id(%barrier3A)
    %scan3A = arith.constant 0 : i32
    %scan3A_3 = arith.constant 0 : i32
    %scan3A_4 = arith.constant 23 : i32
    %scan3A_5 = arith.addi %scan3A_3, %scan3A_4 : i32
    %scan3A_6 = arith.constant 1 : i32
    scf.for %scan3A_13 = %scan3A_3 to %scan3A_5 step %scan3A_6  : i32 {
      %mul3A_14 = arith.constant 4 : i32
      %mul3A_15 = arith.muli %scan3A_13, %mul3A_14 : i32
      %add3A = arith.constant 0 : i32
      %add3A_16 = arith.addi %mul3A_15, %add3A : i32
      %dma_start3A = arith.constant 0 : i32
      %dma_start3A_17 = tpu.memref_slice %arg6[%add3A_16, %dma_start3A] : memref<92x112xi32, #tpu.memory_space<vmem>> -> memref<1x112xi32, #tpu.memory_space<vmem>>
      %dma_start3A_18 = tpu.memref_squeeze %dma_start3A_17 : memref<1x112xi32, #tpu.memory_space<vmem>> -> memref<112xi32, #tpu.memory_space<vmem>>
      %dma_start3A_19 = arith.constant 0 : i32
      %dma_start3A_20 = arith.constant 0 : i32
      %dma_start3A_21 = tpu.memref_slice %arg8[%dma_start3A_19, %dma_start3A_20] : memref<10112x16xf32, #tpu.memory_space<vmem_shared>> -> memref<10112x16xf32, #tpu.memory_space<vmem_shared>>
      tpu.enqueue_indirect_dma source(%arg7 : memref<112x16xf32, #tpu.memory_space<vmem>>) target(%dma_start3A_21 : memref<10112x16xf32, #tpu.memory_space<vmem_shared>>) offsets(%dma_start3A_18 : memref<112xi32, #tpu.memory_space<vmem>>) semaphore(%arg9 : memref<!tpu.dma_semaphore, #tpu.memory_space<semaphore_mem>>) {add = true}
      %add3A_22 = arith.constant 1 : i32
      %add3A_23 = arith.addi %mul3A_15, %add3A_22 : i32
      %dma_start3A_24 = arith.constant 0 : i32
      %dma_start3A_25 = tpu.memref_slice %arg6[%add3A_23, %dma_start3A_24] : memref<92x112xi32, #tpu.memory_space<vmem>> -> memref<1x112xi32, #tpu.memory_space<vmem>>
      %dma_start3A_26 = tpu.memref_squeeze %dma_start3A_25 : memref<1x112xi32, #tpu.memory_space<vmem>> -> memref<112xi32, #tpu.memory_space<vmem>>
      %dma_start3A_27 = arith.constant 0 : i32
      %dma_start3A_28 = arith.constant 0 : i32
      %dma_start3A_29 = tpu.memref_slice %arg8[%dma_start3A_27, %dma_start3A_28] : memref<10112x16xf32, #tpu.memory_space<vmem_shared>> -> memref<10112x16xf32, #tpu.memory_space<vmem_shared>>
      tpu.enqueue_indirect_dma source(%arg7 : memref<112x16xf32, #tpu.memory_space<vmem>>) target(%dma_start3A_29 : memref<10112x16xf32, #tpu.memory_space<vmem_shared>>) offsets(%dma_start3A_26 : memref<112xi32, #tpu.memory_space<vmem>>) semaphore(%arg10 : memref<!tpu.dma_semaphore, #tpu.memory_space<semaphore_mem>>) {add = true}
      %add3A_30 = arith.constant 2 : i32
      %add3A_31 = arith.addi %mul3A_15, %add3A_30 : i32
      %dma_start3A_32 = arith.constant 0 : i32
      %dma_start3A_33 = tpu.memref_slice %arg6[%add3A_31, %dma_start3A_32] : memref<92x112xi32, #tpu.memory_space<vmem>> -> memref<1x112xi32, #tpu.memory_space<vmem>>
      %dma_start3A_34 = tpu.memref_squeeze %dma_start3A_33 : memref<1x112xi32, #tpu.memory_space<vmem>> -> memref<112xi32, #tpu.memory_space<vmem>>
      %dma_start3A_35 = arith.constant 0 : i32
      %dma_start3A_36 = arith.constant 0 : i32
      %dma_start3A_37 = tpu.memref_slice %arg8[%dma_start3A_35, %dma_start3A_36] : memref<10112x16xf32, #tpu.memory_space<vmem_shared>> -> memref<10112x16xf32, #tpu.memory_space<vmem_shared>>
      tpu.enqueue_indirect_dma source(%arg7 : memref<112x16xf32, #tpu.memory_space<vmem>>) target(%dma_start3A_37 : memref<10112x16xf32, #tpu.memory_space<vmem_shared>>) offsets(%dma_start3A_34 : memref<112xi32, #tpu.memory_space<vmem>>) semaphore(%arg11 : memref<!tpu.dma_semaphore, #tpu.memory_space<semaphore_mem>>) {add = true}
      %add3A_38 = arith.constant 3 : i32
      %add3A_39 = arith.addi %mul3A_15, %add3A_38 : i32
      %dma_start3A_40 = arith.constant 0 : i32
      %dma_start3A_41 = tpu.memref_slice %arg6[%add3A_39, %dma_start3A_40] : memref<92x112xi32, #tpu.memory_space<vmem>> -> memref<1x112xi32, #tpu.memory_space<vmem>>
      %dma_start3A_42 = tpu.memref_squeeze %dma_start3A_41 : memref<1x112xi32, #tpu.memory_space<vmem>> -> memref<112xi32, #tpu.memory_space<vmem>>
      %dma_start3A_43 = arith.constant 0 : i32
      %dma_start3A_44 = arith.constant 0 : i32
      %dma_start3A_45 = tpu.memref_slice %arg8[%dma_start3A_43, %dma_start3A_44] : memref<10112x16xf32, #tpu.memory_space<vmem_shared>> -> memref<10112x16xf32, #tpu.memory_space<vmem_shared>>
      tpu.enqueue_indirect_dma source(%arg7 : memref<112x16xf32, #tpu.memory_space<vmem>>) target(%dma_start3A_45 : memref<10112x16xf32, #tpu.memory_space<vmem_shared>>) offsets(%dma_start3A_42 : memref<112xi32, #tpu.memory_space<vmem>>) semaphore(%arg12 : memref<!tpu.dma_semaphore, #tpu.memory_space<semaphore_mem>>) {add = true}
      %dma_wait3A = arith.constant 0 : i32
      %dma_wait3A_46 = tpu.memref_slice %arg6[%add3A_16, %dma_wait3A] : memref<92x112xi32, #tpu.memory_space<vmem>> -> memref<1x112xi32, #tpu.memory_space<vmem>>
      %dma_wait3A_47 = tpu.memref_squeeze %dma_wait3A_46 : memref<1x112xi32, #tpu.memory_space<vmem>> -> memref<112xi32, #tpu.memory_space<vmem>>
      %dma_wait3A_48 = arith.constant 0 : i32
      %dma_wait3A_49 = arith.constant 0 : i32
      %dma_wait3A_50 = tpu.memref_slice %arg8[%dma_wait3A_48, %dma_wait3A_49] : memref<10112x16xf32, #tpu.memory_space<vmem_shared>> -> memref<10112x16xf32, #tpu.memory_space<vmem_shared>>
      tpu.wait_indirect_dma semaphore(%arg9 : memref<!tpu.dma_semaphore, #tpu.memory_space<semaphore_mem>>) src(%arg7 : memref<112x16xf32, #tpu.memory_space<vmem>>) dst(%dma_wait3A_50 : memref<10112x16xf32, #tpu.memory_space<vmem_shared>>)
      %dma_wait3A_51 = arith.constant 0 : i32
      %dma_wait3A_52 = tpu.memref_slice %arg6[%add3A_23, %dma_wait3A_51] : memref<92x112xi32, #tpu.memory_space<vmem>> -> memref<1x112xi32, #tpu.memory_space<vmem>>
      %dma_wait3A_53 = tpu.memref_squeeze %dma_wait3A_52 : memref<1x112xi32, #tpu.memory_space<vmem>> -> memref<112xi32, #tpu.memory_space<vmem>>
      %dma_wait3A_54 = arith.constant 0 : i32
      %dma_wait3A_55 = arith.constant 0 : i32
      %dma_wait3A_56 = tpu.memref_slice %arg8[%dma_wait3A_54, %dma_wait3A_55] : memref<10112x16xf32, #tpu.memory_space<vmem_shared>> -> memref<10112x16xf32, #tpu.memory_space<vmem_shared>>
      tpu.wait_indirect_dma semaphore(%arg10 : memref<!tpu.dma_semaphore, #tpu.memory_space<semaphore_mem>>) src(%arg7 : memref<112x16xf32, #tpu.memory_space<vmem>>) dst(%dma_wait3A_56 : memref<10112x16xf32, #tpu.memory_space<vmem_shared>>)
      %dma_wait3A_57 = arith.constant 0 : i32
      %dma_wait3A_58 = tpu.memref_slice %arg6[%add3A_31, %dma_wait3A_57] : memref<92x112xi32, #tpu.memory_space<vmem>> -> memref<1x112xi32, #tpu.memory_space<vmem>>
      %dma_wait3A_59 = tpu.memref_squeeze %dma_wait3A_58 : memref<1x112xi32, #tpu.memory_space<vmem>> -> memref<112xi32, #tpu.memory_space<vmem>>
      %dma_wait3A_60 = arith.constant 0 : i32
      %dma_wait3A_61 = arith.constant 0 : i32
      %dma_wait3A_62 = tpu.memref_slice %arg8[%dma_wait3A_60, %dma_wait3A_61] : memref<10112x16xf32, #tpu.memory_space<vmem_shared>> -> memref<10112x16xf32, #tpu.memory_space<vmem_shared>>
      tpu.wait_indirect_dma semaphore(%arg11 : memref<!tpu.dma_semaphore, #tpu.memory_space<semaphore_mem>>) src(%arg7 : memref<112x16xf32, #tpu.memory_space<vmem>>) dst(%dma_wait3A_62 : memref<10112x16xf32, #tpu.memory_space<vmem_shared>>)
      %dma_wait3A_63 = arith.constant 0 : i32
      %dma_wait3A_64 = tpu.memref_slice %arg6[%add3A_39, %dma_wait3A_63] : memref<92x112xi32, #tpu.memory_space<vmem>> -> memref<1x112xi32, #tpu.memory_space<vmem>>
      %dma_wait3A_65 = tpu.memref_squeeze %dma_wait3A_64 : memref<1x112xi32, #tpu.memory_space<vmem>> -> memref<112xi32, #tpu.memory_space<vmem>>
      %dma_wait3A_66 = arith.constant 0 : i32
      %dma_wait3A_67 = arith.constant 0 : i32
      %dma_wait3A_68 = tpu.memref_slice %arg8[%dma_wait3A_66, %dma_wait3A_67] : memref<10112x16xf32, #tpu.memory_space<vmem_shared>> -> memref<10112x16xf32, #tpu.memory_space<vmem_shared>>
      tpu.wait_indirect_dma semaphore(%arg12 : memref<!tpu.dma_semaphore, #tpu.memory_space<semaphore_mem>>) src(%arg7 : memref<112x16xf32, #tpu.memory_space<vmem>>) dst(%dma_wait3A_68 : memref<10112x16xf32, #tpu.memory_space<vmem_shared>>)
    }
    %scan3A_7 = arith.constant 23 : i32
    %barrier3A_8 = arith.constant 0 : index
    tpu.barrier barrier_id(%barrier3A_8)
    %mul3A_9 = arith.constant 632 : i32
    %mul3A_10 = arith.muli %arg1, %mul3A_9 : i32
    %mul3A_11 = arith.constant 632 : i32
    %mul3A_12 = arith.muli %arg1, %mul3A_11 : i32
    "tpu.region"() ({
      %run_scoped3A = tpu.sem_alloc : memref<!tpu.dma_semaphore, #tpu.memory_space<semaphore_mem>>
      %dma_start3A = arith.constant 0 : i32
      %dma_start3A_13 = tpu.memref_slice %arg5[%arg0, %mul3A_12, %dma_start3A] : memref<2x10112x16xf32, #tpu.memory_space<hbm>> -> memref<1x632x16xf32, #tpu.memory_space<hbm>>
      %dma_start3A_14 = tpu.memref_squeeze %dma_start3A_13 : memref<1x632x16xf32, #tpu.memory_space<hbm>> -> memref<632x16xf32, #tpu.memory_space<hbm>>
      %dma_start3A_15 = arith.constant 0 : i32
      %dma_start3A_16 = tpu.memref_slice %arg8[%mul3A_10, %dma_start3A_15] : memref<10112x16xf32, #tpu.memory_space<vmem_shared>> -> memref<632x16xf32, #tpu.memory_space<vmem_shared>>
      tpu.enqueue_dma source(%dma_start3A_16 : memref<632x16xf32, #tpu.memory_space<vmem_shared>>) target(%dma_start3A_14 : memref<632x16xf32, #tpu.memory_space<hbm>>) target_semaphore(%run_scoped3A : memref<!tpu.dma_semaphore, #tpu.memory_space<semaphore_mem>>)
      %dma_wait3A = arith.constant 0 : i32
      %dma_wait3A_17 = tpu.memref_slice %arg5[%arg0, %mul3A_12, %dma_wait3A] : memref<2x10112x16xf32, #tpu.memory_space<hbm>> -> memref<1x632x16xf32, #tpu.memory_space<hbm>>
      %dma_wait3A_18 = tpu.memref_squeeze %dma_wait3A_17 : memref<1x632x16xf32, #tpu.memory_space<hbm>> -> memref<632x16xf32, #tpu.memory_space<hbm>>
      %dma_wait3A_19 = arith.constant 0 : i32
      %dma_wait3A_20 = tpu.memref_slice %arg8[%mul3A_10, %dma_wait3A_19] : memref<10112x16xf32, #tpu.memory_space<vmem_shared>> -> memref<632x16xf32, #tpu.memory_space<vmem_shared>>
      tpu.wait_dma2 semaphore(%run_scoped3A : memref<!tpu.dma_semaphore, #tpu.memory_space<semaphore_mem>>) src(%dma_wait3A_20 : memref<632x16xf32, #tpu.memory_space<vmem_shared>>) dst(%dma_wait3A_18 : memref<632x16xf32, #tpu.memory_space<hbm>>)
      tpu.yield
    }) : () -> ()
    return
  }
}

#map = affine_map<(d0, d1) -> (0, 0)>
#map1 = affine_map<(d0, d1) -> (0, 0, 0, 0)>
#map2 = affine_map<(d0, d1) -> (0, 0, 0)>
module attributes {stable_mosaic.version = 14 : i64} {
  func.func @k(%arg0: i32, %arg1: i32, %arg2: memref<10112x64xf32, #tpu.memory_space<hbm>>, %arg3: memref<2x16x92x112xi32, #tpu.memory_space<hbm>>, %arg4: memref<2x16x92x112xi32, #tpu.memory_space<hbm>>, %arg5: memref<10112x64xf32, #tpu.memory_space<hbm>>, %arg6: memref<2x10112x64xf32, #tpu.memory_space<hbm>>, %arg7: memref<92x112xi32, #tpu.memory_space<vmem>>, %arg8: memref<92x112xi32, #tpu.memory_space<vmem>>, %arg9: memref<112x64xf32, #tpu.memory_space<vmem>>, %arg10: memref<112x64xf32, #tpu.memory_space<vmem>>, %arg11: memref<112x64xf32, #tpu.memory_space<vmem>>, %arg12: memref<112x64xf32, #tpu.memory_space<vmem>>, %arg13: memref<10112x64xf32, #tpu.memory_space<vmem_shared>>, %arg14: memref<10112x64xf32, #tpu.memory_space<vmem_shared>>, %arg15: memref<!tpu.dma_semaphore, #tpu.memory_space<semaphore_mem>>, %arg16: memref<!tpu.dma_semaphore, #tpu.memory_space<semaphore_mem>>, %arg17: memref<!tpu.dma_semaphore, #tpu.memory_space<semaphore_mem>>, %arg18: memref<!tpu.dma_semaphore, #tpu.memory_space<semaphore_mem>>, %arg19: memref<!tpu.dma_semaphore, #tpu.memory_space<semaphore_mem>>, %arg20: memref<!tpu.dma_semaphore, #tpu.memory_space<semaphore_mem>>, %arg21: memref<!tpu.dma_semaphore, #tpu.memory_space<semaphore_mem>>, %arg22: memref<!tpu.dma_semaphore, #tpu.memory_space<semaphore_mem>>) attributes {dimension_semantics = [#tpu.dimension_semantics<core_parallel>, #tpu.dimension_semantics<subcore_parallel>], iteration_bounds = array<i64: 2, 16>, scalar_prefetch = 0 : i64, scratch_operands = 16 : i64, tpu.core_type = #tpu.core_type<sc_vector_subcore>, window_params = [{transform_indices = #map}, {transform_indices = #map1}, {transform_indices = #map1}, {transform_indices = #map}, {transform_indices = #map2}]} {
    "tpu.region"() ({
      %run_scoped3A = tpu.sem_alloc : memref<!tpu.dma_semaphore, #tpu.memory_space<semaphore_mem>>
      %dma_start3A = arith.constant 0 : i32
      %dma_start3A_17 = arith.constant 0 : i32
      %dma_start3A_18 = tpu.memref_slice %arg3[%arg0, %arg1, %dma_start3A, %dma_start3A_17] : memref<2x16x92x112xi32, #tpu.memory_space<hbm>> -> memref<1x1x92x112xi32, #tpu.memory_space<hbm>>
      %dma_start3A_19 = tpu.memref_squeeze %dma_start3A_18 : memref<1x1x92x112xi32, #tpu.memory_space<hbm>> -> memref<92x112xi32, #tpu.memory_space<hbm>>
      %dma_start3A_20 = arith.constant 0 : i32
      %dma_start3A_21 = arith.constant 0 : i32
      %dma_start3A_22 = tpu.memref_slice %arg3[%arg0, %arg1, %dma_start3A_20, %dma_start3A_21] : memref<2x16x92x112xi32, #tpu.memory_space<hbm>> -> memref<1x1x92x112xi32, #tpu.memory_space<hbm>>
      %dma_start3A_23 = tpu.memref_squeeze %dma_start3A_22 : memref<1x1x92x112xi32, #tpu.memory_space<hbm>> -> memref<92x112xi32, #tpu.memory_space<hbm>>
      tpu.enqueue_dma source(%dma_start3A_23 : memref<92x112xi32, #tpu.memory_space<hbm>>) target(%arg7 : memref<92x112xi32, #tpu.memory_space<vmem>>) target_semaphore(%run_scoped3A : memref<!tpu.dma_semaphore, #tpu.memory_space<semaphore_mem>>)
      %dma_wait3A = arith.constant 0 : i32
      %dma_wait3A_24 = arith.constant 0 : i32
      %dma_wait3A_25 = tpu.memref_slice %arg3[%arg0, %arg1, %dma_wait3A, %dma_wait3A_24] : memref<2x16x92x112xi32, #tpu.memory_space<hbm>> -> memref<1x1x92x112xi32, #tpu.memory_space<hbm>>
      %dma_wait3A_26 = tpu.memref_squeeze %dma_wait3A_25 : memref<1x1x92x112xi32, #tpu.memory_space<hbm>> -> memref<92x112xi32, #tpu.memory_space<hbm>>
      %dma_wait3A_27 = arith.constant 0 : i32
      %dma_wait3A_28 = arith.constant 0 : i32
      %dma_wait3A_29 = tpu.memref_slice %arg3[%arg0, %arg1, %dma_wait3A_27, %dma_wait3A_28] : memref<2x16x92x112xi32, #tpu.memory_space<hbm>> -> memref<1x1x92x112xi32, #tpu.memory_space<hbm>>
      %dma_wait3A_30 = tpu.memref_squeeze %dma_wait3A_29 : memref<1x1x92x112xi32, #tpu.memory_space<hbm>> -> memref<92x112xi32, #tpu.memory_space<hbm>>
      tpu.wait_dma2 semaphore(%run_scoped3A : memref<!tpu.dma_semaphore, #tpu.memory_space<semaphore_mem>>) src(%dma_wait3A_30 : memref<92x112xi32, #tpu.memory_space<hbm>>) dst(%arg7 : memref<92x112xi32, #tpu.memory_space<vmem>>)
      tpu.yield
    }) : () -> ()
    "tpu.region"() ({
      %run_scoped3A = tpu.sem_alloc : memref<!tpu.dma_semaphore, #tpu.memory_space<semaphore_mem>>
      %dma_start3A = arith.constant 0 : i32
      %dma_start3A_17 = arith.constant 0 : i32
      %dma_start3A_18 = tpu.memref_slice %arg4[%arg0, %arg1, %dma_start3A, %dma_start3A_17] : memref<2x16x92x112xi32, #tpu.memory_space<hbm>> -> memref<1x1x92x112xi32, #tpu.memory_space<hbm>>
      %dma_start3A_19 = tpu.memref_squeeze %dma_start3A_18 : memref<1x1x92x112xi32, #tpu.memory_space<hbm>> -> memref<92x112xi32, #tpu.memory_space<hbm>>
      %dma_start3A_20 = arith.constant 0 : i32
      %dma_start3A_21 = arith.constant 0 : i32
      %dma_start3A_22 = tpu.memref_slice %arg4[%arg0, %arg1, %dma_start3A_20, %dma_start3A_21] : memref<2x16x92x112xi32, #tpu.memory_space<hbm>> -> memref<1x1x92x112xi32, #tpu.memory_space<hbm>>
      %dma_start3A_23 = tpu.memref_squeeze %dma_start3A_22 : memref<1x1x92x112xi32, #tpu.memory_space<hbm>> -> memref<92x112xi32, #tpu.memory_space<hbm>>
      tpu.enqueue_dma source(%dma_start3A_23 : memref<92x112xi32, #tpu.memory_space<hbm>>) target(%arg8 : memref<92x112xi32, #tpu.memory_space<vmem>>) target_semaphore(%run_scoped3A : memref<!tpu.dma_semaphore, #tpu.memory_space<semaphore_mem>>)
      %dma_wait3A = arith.constant 0 : i32
      %dma_wait3A_24 = arith.constant 0 : i32
      %dma_wait3A_25 = tpu.memref_slice %arg4[%arg0, %arg1, %dma_wait3A, %dma_wait3A_24] : memref<2x16x92x112xi32, #tpu.memory_space<hbm>> -> memref<1x1x92x112xi32, #tpu.memory_space<hbm>>
      %dma_wait3A_26 = tpu.memref_squeeze %dma_wait3A_25 : memref<1x1x92x112xi32, #tpu.memory_space<hbm>> -> memref<92x112xi32, #tpu.memory_space<hbm>>
      %dma_wait3A_27 = arith.constant 0 : i32
      %dma_wait3A_28 = arith.constant 0 : i32
      %dma_wait3A_29 = tpu.memref_slice %arg4[%arg0, %arg1, %dma_wait3A_27, %dma_wait3A_28] : memref<2x16x92x112xi32, #tpu.memory_space<hbm>> -> memref<1x1x92x112xi32, #tpu.memory_space<hbm>>
      %dma_wait3A_30 = tpu.memref_squeeze %dma_wait3A_29 : memref<1x1x92x112xi32, #tpu.memory_space<hbm>> -> memref<92x112xi32, #tpu.memory_space<hbm>>
      tpu.wait_dma2 semaphore(%run_scoped3A : memref<!tpu.dma_semaphore, #tpu.memory_space<semaphore_mem>>) src(%dma_wait3A_30 : memref<92x112xi32, #tpu.memory_space<hbm>>) dst(%arg8 : memref<92x112xi32, #tpu.memory_space<vmem>>)
      tpu.yield
    }) : () -> ()
    %mul3A = arith.constant 632 : i32
    %mul3A_0 = arith.muli %arg1, %mul3A : i32
    %mul3A_1 = arith.constant 632 : i32
    %mul3A_2 = arith.muli %arg1, %mul3A_1 : i32
    "tpu.region"() ({
      %run_scoped3A = tpu.sem_alloc : memref<!tpu.dma_semaphore, #tpu.memory_space<semaphore_mem>>
      %dma_start3A = arith.constant 0 : i32
      %dma_start3A_17 = tpu.memref_slice %arg14[%mul3A_2, %dma_start3A] : memref<10112x64xf32, #tpu.memory_space<vmem_shared>> -> memref<632x64xf32, #tpu.memory_space<vmem_shared>>
      %dma_start3A_18 = arith.constant 0 : i32
      %dma_start3A_19 = tpu.memref_slice %arg2[%mul3A_0, %dma_start3A_18] : memref<10112x64xf32, #tpu.memory_space<hbm>> -> memref<632x64xf32, #tpu.memory_space<hbm>>
      tpu.enqueue_dma source(%dma_start3A_19 : memref<632x64xf32, #tpu.memory_space<hbm>>) target(%dma_start3A_17 : memref<632x64xf32, #tpu.memory_space<vmem_shared>>) target_semaphore(%run_scoped3A : memref<!tpu.dma_semaphore, #tpu.memory_space<semaphore_mem>>)
      %dma_wait3A = arith.constant 0 : i32
      %dma_wait3A_20 = tpu.memref_slice %arg14[%mul3A_2, %dma_wait3A] : memref<10112x64xf32, #tpu.memory_space<vmem_shared>> -> memref<632x64xf32, #tpu.memory_space<vmem_shared>>
      %dma_wait3A_21 = arith.constant 0 : i32
      %dma_wait3A_22 = tpu.memref_slice %arg2[%mul3A_0, %dma_wait3A_21] : memref<10112x64xf32, #tpu.memory_space<hbm>> -> memref<632x64xf32, #tpu.memory_space<hbm>>
      tpu.wait_dma2 semaphore(%run_scoped3A : memref<!tpu.dma_semaphore, #tpu.memory_space<semaphore_mem>>) src(%dma_wait3A_22 : memref<632x64xf32, #tpu.memory_space<hbm>>) dst(%dma_wait3A_20 : memref<632x64xf32, #tpu.memory_space<vmem_shared>>)
      tpu.yield
    }) : () -> ()
    %mul3A_3 = arith.constant 632 : i32
    %mul3A_4 = arith.muli %arg1, %mul3A_3 : i32
    %mul3A_5 = arith.constant 632 : i32
    %mul3A_6 = arith.muli %arg1, %mul3A_5 : i32
    "tpu.region"() ({
      %run_scoped3A = tpu.sem_alloc : memref<!tpu.dma_semaphore, #tpu.memory_space<semaphore_mem>>
      %dma_start3A = arith.constant 0 : i32
      %dma_start3A_17 = tpu.memref_slice %arg13[%mul3A_6, %dma_start3A] : memref<10112x64xf32, #tpu.memory_space<vmem_shared>> -> memref<632x64xf32, #tpu.memory_space<vmem_shared>>
      %dma_start3A_18 = arith.constant 0 : i32
      %dma_start3A_19 = tpu.memref_slice %arg5[%mul3A_4, %dma_start3A_18] : memref<10112x64xf32, #tpu.memory_space<hbm>> -> memref<632x64xf32, #tpu.memory_space<hbm>>
      tpu.enqueue_dma source(%dma_start3A_19 : memref<632x64xf32, #tpu.memory_space<hbm>>) target(%dma_start3A_17 : memref<632x64xf32, #tpu.memory_space<vmem_shared>>) target_semaphore(%run_scoped3A : memref<!tpu.dma_semaphore, #tpu.memory_space<semaphore_mem>>)
      %dma_wait3A = arith.constant 0 : i32
      %dma_wait3A_20 = tpu.memref_slice %arg13[%mul3A_6, %dma_wait3A] : memref<10112x64xf32, #tpu.memory_space<vmem_shared>> -> memref<632x64xf32, #tpu.memory_space<vmem_shared>>
      %dma_wait3A_21 = arith.constant 0 : i32
      %dma_wait3A_22 = tpu.memref_slice %arg5[%mul3A_4, %dma_wait3A_21] : memref<10112x64xf32, #tpu.memory_space<hbm>> -> memref<632x64xf32, #tpu.memory_space<hbm>>
      tpu.wait_dma2 semaphore(%run_scoped3A : memref<!tpu.dma_semaphore, #tpu.memory_space<semaphore_mem>>) src(%dma_wait3A_22 : memref<632x64xf32, #tpu.memory_space<hbm>>) dst(%dma_wait3A_20 : memref<632x64xf32, #tpu.memory_space<vmem_shared>>)
      tpu.yield
    }) : () -> ()
    %barrier3A = arith.constant 0 : index
    tpu.barrier barrier_id(%barrier3A)
    %scan3A = arith.constant 0 : i32
    %scan3A_7 = arith.constant 0 : i32
    %scan3A_8 = arith.constant 23 : i32
    %scan3A_9 = arith.addi %scan3A_7, %scan3A_8 : i32
    %scan3A_10 = arith.constant 1 : i32
    scf.for %scan3A_17 = %scan3A_7 to %scan3A_9 step %scan3A_10  : i32 {
      %mul3A_18 = arith.constant 4 : i32
      %mul3A_19 = arith.muli %scan3A_17, %mul3A_18 : i32
      %add3A = arith.constant 0 : i32
      %add3A_20 = arith.addi %mul3A_19, %add3A : i32
      %dma_start3A = arith.constant 0 : i32
      %dma_start3A_21 = tpu.memref_slice %arg7[%add3A_20, %dma_start3A] : memref<92x112xi32, #tpu.memory_space<vmem>> -> memref<1x112xi32, #tpu.memory_space<vmem>>
      %dma_start3A_22 = tpu.memref_squeeze %dma_start3A_21 : memref<1x112xi32, #tpu.memory_space<vmem>> -> memref<112xi32, #tpu.memory_space<vmem>>
      %dma_start3A_23 = arith.constant 0 : i32
      %dma_start3A_24 = arith.constant 0 : i32
      %dma_start3A_25 = tpu.memref_slice %arg14[%dma_start3A_23, %dma_start3A_24] : memref<10112x64xf32, #tpu.memory_space<vmem_shared>> -> memref<10112x64xf32, #tpu.memory_space<vmem_shared>>
      tpu.enqueue_indirect_dma source(%dma_start3A_25 : memref<10112x64xf32, #tpu.memory_space<vmem_shared>>) target(%arg9 : memref<112x64xf32, #tpu.memory_space<vmem>>) offsets(%dma_start3A_22 : memref<112xi32, #tpu.memory_space<vmem>>) semaphore(%arg15 : memref<!tpu.dma_semaphore, #tpu.memory_space<semaphore_mem>>)
      %add3A_26 = arith.constant 1 : i32
      %add3A_27 = arith.addi %mul3A_19, %add3A_26 : i32
      %dma_start3A_28 = arith.constant 0 : i32
      %dma_start3A_29 = tpu.memref_slice %arg7[%add3A_27, %dma_start3A_28] : memref<92x112xi32, #tpu.memory_space<vmem>> -> memref<1x112xi32, #tpu.memory_space<vmem>>
      %dma_start3A_30 = tpu.memref_squeeze %dma_start3A_29 : memref<1x112xi32, #tpu.memory_space<vmem>> -> memref<112xi32, #tpu.memory_space<vmem>>
      %dma_start3A_31 = arith.constant 0 : i32
      %dma_start3A_32 = arith.constant 0 : i32
      %dma_start3A_33 = tpu.memref_slice %arg14[%dma_start3A_31, %dma_start3A_32] : memref<10112x64xf32, #tpu.memory_space<vmem_shared>> -> memref<10112x64xf32, #tpu.memory_space<vmem_shared>>
      tpu.enqueue_indirect_dma source(%dma_start3A_33 : memref<10112x64xf32, #tpu.memory_space<vmem_shared>>) target(%arg10 : memref<112x64xf32, #tpu.memory_space<vmem>>) offsets(%dma_start3A_30 : memref<112xi32, #tpu.memory_space<vmem>>) semaphore(%arg16 : memref<!tpu.dma_semaphore, #tpu.memory_space<semaphore_mem>>)
      %add3A_34 = arith.constant 2 : i32
      %add3A_35 = arith.addi %mul3A_19, %add3A_34 : i32
      %dma_start3A_36 = arith.constant 0 : i32
      %dma_start3A_37 = tpu.memref_slice %arg7[%add3A_35, %dma_start3A_36] : memref<92x112xi32, #tpu.memory_space<vmem>> -> memref<1x112xi32, #tpu.memory_space<vmem>>
      %dma_start3A_38 = tpu.memref_squeeze %dma_start3A_37 : memref<1x112xi32, #tpu.memory_space<vmem>> -> memref<112xi32, #tpu.memory_space<vmem>>
      %dma_start3A_39 = arith.constant 0 : i32
      %dma_start3A_40 = arith.constant 0 : i32
      %dma_start3A_41 = tpu.memref_slice %arg14[%dma_start3A_39, %dma_start3A_40] : memref<10112x64xf32, #tpu.memory_space<vmem_shared>> -> memref<10112x64xf32, #tpu.memory_space<vmem_shared>>
      tpu.enqueue_indirect_dma source(%dma_start3A_41 : memref<10112x64xf32, #tpu.memory_space<vmem_shared>>) target(%arg11 : memref<112x64xf32, #tpu.memory_space<vmem>>) offsets(%dma_start3A_38 : memref<112xi32, #tpu.memory_space<vmem>>) semaphore(%arg17 : memref<!tpu.dma_semaphore, #tpu.memory_space<semaphore_mem>>)
      %add3A_42 = arith.constant 3 : i32
      %add3A_43 = arith.addi %mul3A_19, %add3A_42 : i32
      %dma_start3A_44 = arith.constant 0 : i32
      %dma_start3A_45 = tpu.memref_slice %arg7[%add3A_43, %dma_start3A_44] : memref<92x112xi32, #tpu.memory_space<vmem>> -> memref<1x112xi32, #tpu.memory_space<vmem>>
      %dma_start3A_46 = tpu.memref_squeeze %dma_start3A_45 : memref<1x112xi32, #tpu.memory_space<vmem>> -> memref<112xi32, #tpu.memory_space<vmem>>
      %dma_start3A_47 = arith.constant 0 : i32
      %dma_start3A_48 = arith.constant 0 : i32
      %dma_start3A_49 = tpu.memref_slice %arg14[%dma_start3A_47, %dma_start3A_48] : memref<10112x64xf32, #tpu.memory_space<vmem_shared>> -> memref<10112x64xf32, #tpu.memory_space<vmem_shared>>
      tpu.enqueue_indirect_dma source(%dma_start3A_49 : memref<10112x64xf32, #tpu.memory_space<vmem_shared>>) target(%arg12 : memref<112x64xf32, #tpu.memory_space<vmem>>) offsets(%dma_start3A_46 : memref<112xi32, #tpu.memory_space<vmem>>) semaphore(%arg18 : memref<!tpu.dma_semaphore, #tpu.memory_space<semaphore_mem>>)
      %dma_wait3A = arith.constant 0 : i32
      %dma_wait3A_50 = tpu.memref_slice %arg7[%add3A_20, %dma_wait3A] : memref<92x112xi32, #tpu.memory_space<vmem>> -> memref<1x112xi32, #tpu.memory_space<vmem>>
      %dma_wait3A_51 = tpu.memref_squeeze %dma_wait3A_50 : memref<1x112xi32, #tpu.memory_space<vmem>> -> memref<112xi32, #tpu.memory_space<vmem>>
      %dma_wait3A_52 = arith.constant 0 : i32
      %dma_wait3A_53 = arith.constant 0 : i32
      %dma_wait3A_54 = tpu.memref_slice %arg14[%dma_wait3A_52, %dma_wait3A_53] : memref<10112x64xf32, #tpu.memory_space<vmem_shared>> -> memref<10112x64xf32, #tpu.memory_space<vmem_shared>>
      tpu.wait_indirect_dma semaphore(%arg15 : memref<!tpu.dma_semaphore, #tpu.memory_space<semaphore_mem>>) src(%dma_wait3A_54 : memref<10112x64xf32, #tpu.memory_space<vmem_shared>>) dst(%arg9 : memref<112x64xf32, #tpu.memory_space<vmem>>)
      %add3A_55 = arith.constant 0 : i32
      %add3A_56 = arith.addi %mul3A_19, %add3A_55 : i32
      %dma_start3A_57 = arith.constant 0 : i32
      %dma_start3A_58 = tpu.memref_slice %arg8[%add3A_56, %dma_start3A_57] : memref<92x112xi32, #tpu.memory_space<vmem>> -> memref<1x112xi32, #tpu.memory_space<vmem>>
      %dma_start3A_59 = tpu.memref_squeeze %dma_start3A_58 : memref<1x112xi32, #tpu.memory_space<vmem>> -> memref<112xi32, #tpu.memory_space<vmem>>
      %dma_start3A_60 = arith.constant 0 : i32
      %dma_start3A_61 = arith.constant 0 : i32
      %dma_start3A_62 = tpu.memref_slice %arg13[%dma_start3A_60, %dma_start3A_61] : memref<10112x64xf32, #tpu.memory_space<vmem_shared>> -> memref<10112x64xf32, #tpu.memory_space<vmem_shared>>
      tpu.enqueue_indirect_dma source(%arg9 : memref<112x64xf32, #tpu.memory_space<vmem>>) target(%dma_start3A_62 : memref<10112x64xf32, #tpu.memory_space<vmem_shared>>) offsets(%dma_start3A_59 : memref<112xi32, #tpu.memory_space<vmem>>) semaphore(%arg19 : memref<!tpu.dma_semaphore, #tpu.memory_space<semaphore_mem>>) {add = true}
      %dma_wait3A_63 = arith.constant 0 : i32
      %dma_wait3A_64 = tpu.memref_slice %arg7[%add3A_27, %dma_wait3A_63] : memref<92x112xi32, #tpu.memory_space<vmem>> -> memref<1x112xi32, #tpu.memory_space<vmem>>
      %dma_wait3A_65 = tpu.memref_squeeze %dma_wait3A_64 : memref<1x112xi32, #tpu.memory_space<vmem>> -> memref<112xi32, #tpu.memory_space<vmem>>
      %dma_wait3A_66 = arith.constant 0 : i32
      %dma_wait3A_67 = arith.constant 0 : i32
      %dma_wait3A_68 = tpu.memref_slice %arg14[%dma_wait3A_66, %dma_wait3A_67] : memref<10112x64xf32, #tpu.memory_space<vmem_shared>> -> memref<10112x64xf32, #tpu.memory_space<vmem_shared>>
      tpu.wait_indirect_dma semaphore(%arg16 : memref<!tpu.dma_semaphore, #tpu.memory_space<semaphore_mem>>) src(%dma_wait3A_68 : memref<10112x64xf32, #tpu.memory_space<vmem_shared>>) dst(%arg10 : memref<112x64xf32, #tpu.memory_space<vmem>>)
      %add3A_69 = arith.constant 1 : i32
      %add3A_70 = arith.addi %mul3A_19, %add3A_69 : i32
      %dma_start3A_71 = arith.constant 0 : i32
      %dma_start3A_72 = tpu.memref_slice %arg8[%add3A_70, %dma_start3A_71] : memref<92x112xi32, #tpu.memory_space<vmem>> -> memref<1x112xi32, #tpu.memory_space<vmem>>
      %dma_start3A_73 = tpu.memref_squeeze %dma_start3A_72 : memref<1x112xi32, #tpu.memory_space<vmem>> -> memref<112xi32, #tpu.memory_space<vmem>>
      %dma_start3A_74 = arith.constant 0 : i32
      %dma_start3A_75 = arith.constant 0 : i32
      %dma_start3A_76 = tpu.memref_slice %arg13[%dma_start3A_74, %dma_start3A_75] : memref<10112x64xf32, #tpu.memory_space<vmem_shared>> -> memref<10112x64xf32, #tpu.memory_space<vmem_shared>>
      tpu.enqueue_indirect_dma source(%arg10 : memref<112x64xf32, #tpu.memory_space<vmem>>) target(%dma_start3A_76 : memref<10112x64xf32, #tpu.memory_space<vmem_shared>>) offsets(%dma_start3A_73 : memref<112xi32, #tpu.memory_space<vmem>>) semaphore(%arg20 : memref<!tpu.dma_semaphore, #tpu.memory_space<semaphore_mem>>) {add = true}
      %dma_wait3A_77 = arith.constant 0 : i32
      %dma_wait3A_78 = tpu.memref_slice %arg7[%add3A_35, %dma_wait3A_77] : memref<92x112xi32, #tpu.memory_space<vmem>> -> memref<1x112xi32, #tpu.memory_space<vmem>>
      %dma_wait3A_79 = tpu.memref_squeeze %dma_wait3A_78 : memref<1x112xi32, #tpu.memory_space<vmem>> -> memref<112xi32, #tpu.memory_space<vmem>>
      %dma_wait3A_80 = arith.constant 0 : i32
      %dma_wait3A_81 = arith.constant 0 : i32
      %dma_wait3A_82 = tpu.memref_slice %arg14[%dma_wait3A_80, %dma_wait3A_81] : memref<10112x64xf32, #tpu.memory_space<vmem_shared>> -> memref<10112x64xf32, #tpu.memory_space<vmem_shared>>
      tpu.wait_indirect_dma semaphore(%arg17 : memref<!tpu.dma_semaphore, #tpu.memory_space<semaphore_mem>>) src(%dma_wait3A_82 : memref<10112x64xf32, #tpu.memory_space<vmem_shared>>) dst(%arg11 : memref<112x64xf32, #tpu.memory_space<vmem>>)
      %add3A_83 = arith.constant 2 : i32
      %add3A_84 = arith.addi %mul3A_19, %add3A_83 : i32
      %dma_start3A_85 = arith.constant 0 : i32
      %dma_start3A_86 = tpu.memref_slice %arg8[%add3A_84, %dma_start3A_85] : memref<92x112xi32, #tpu.memory_space<vmem>> -> memref<1x112xi32, #tpu.memory_space<vmem>>
      %dma_start3A_87 = tpu.memref_squeeze %dma_start3A_86 : memref<1x112xi32, #tpu.memory_space<vmem>> -> memref<112xi32, #tpu.memory_space<vmem>>
      %dma_start3A_88 = arith.constant 0 : i32
      %dma_start3A_89 = arith.constant 0 : i32
      %dma_start3A_90 = tpu.memref_slice %arg13[%dma_start3A_88, %dma_start3A_89] : memref<10112x64xf32, #tpu.memory_space<vmem_shared>> -> memref<10112x64xf32, #tpu.memory_space<vmem_shared>>
      tpu.enqueue_indirect_dma source(%arg11 : memref<112x64xf32, #tpu.memory_space<vmem>>) target(%dma_start3A_90 : memref<10112x64xf32, #tpu.memory_space<vmem_shared>>) offsets(%dma_start3A_87 : memref<112xi32, #tpu.memory_space<vmem>>) semaphore(%arg21 : memref<!tpu.dma_semaphore, #tpu.memory_space<semaphore_mem>>) {add = true}
      %dma_wait3A_91 = arith.constant 0 : i32
      %dma_wait3A_92 = tpu.memref_slice %arg7[%add3A_43, %dma_wait3A_91] : memref<92x112xi32, #tpu.memory_space<vmem>> -> memref<1x112xi32, #tpu.memory_space<vmem>>
      %dma_wait3A_93 = tpu.memref_squeeze %dma_wait3A_92 : memref<1x112xi32, #tpu.memory_space<vmem>> -> memref<112xi32, #tpu.memory_space<vmem>>
      %dma_wait3A_94 = arith.constant 0 : i32
      %dma_wait3A_95 = arith.constant 0 : i32
      %dma_wait3A_96 = tpu.memref_slice %arg14[%dma_wait3A_94, %dma_wait3A_95] : memref<10112x64xf32, #tpu.memory_space<vmem_shared>> -> memref<10112x64xf32, #tpu.memory_space<vmem_shared>>
      tpu.wait_indirect_dma semaphore(%arg18 : memref<!tpu.dma_semaphore, #tpu.memory_space<semaphore_mem>>) src(%dma_wait3A_96 : memref<10112x64xf32, #tpu.memory_space<vmem_shared>>) dst(%arg12 : memref<112x64xf32, #tpu.memory_space<vmem>>)
      %add3A_97 = arith.constant 3 : i32
      %add3A_98 = arith.addi %mul3A_19, %add3A_97 : i32
      %dma_start3A_99 = arith.constant 0 : i32
      %dma_start3A_100 = tpu.memref_slice %arg8[%add3A_98, %dma_start3A_99] : memref<92x112xi32, #tpu.memory_space<vmem>> -> memref<1x112xi32, #tpu.memory_space<vmem>>
      %dma_start3A_101 = tpu.memref_squeeze %dma_start3A_100 : memref<1x112xi32, #tpu.memory_space<vmem>> -> memref<112xi32, #tpu.memory_space<vmem>>
      %dma_start3A_102 = arith.constant 0 : i32
      %dma_start3A_103 = arith.constant 0 : i32
      %dma_start3A_104 = tpu.memref_slice %arg13[%dma_start3A_102, %dma_start3A_103] : memref<10112x64xf32, #tpu.memory_space<vmem_shared>> -> memref<10112x64xf32, #tpu.memory_space<vmem_shared>>
      tpu.enqueue_indirect_dma source(%arg12 : memref<112x64xf32, #tpu.memory_space<vmem>>) target(%dma_start3A_104 : memref<10112x64xf32, #tpu.memory_space<vmem_shared>>) offsets(%dma_start3A_101 : memref<112xi32, #tpu.memory_space<vmem>>) semaphore(%arg22 : memref<!tpu.dma_semaphore, #tpu.memory_space<semaphore_mem>>) {add = true}
      %dma_wait3A_105 = arith.constant 0 : i32
      %dma_wait3A_106 = tpu.memref_slice %arg8[%add3A_56, %dma_wait3A_105] : memref<92x112xi32, #tpu.memory_space<vmem>> -> memref<1x112xi32, #tpu.memory_space<vmem>>
      %dma_wait3A_107 = tpu.memref_squeeze %dma_wait3A_106 : memref<1x112xi32, #tpu.memory_space<vmem>> -> memref<112xi32, #tpu.memory_space<vmem>>
      %dma_wait3A_108 = arith.constant 0 : i32
      %dma_wait3A_109 = arith.constant 0 : i32
      %dma_wait3A_110 = tpu.memref_slice %arg13[%dma_wait3A_108, %dma_wait3A_109] : memref<10112x64xf32, #tpu.memory_space<vmem_shared>> -> memref<10112x64xf32, #tpu.memory_space<vmem_shared>>
      tpu.wait_indirect_dma semaphore(%arg19 : memref<!tpu.dma_semaphore, #tpu.memory_space<semaphore_mem>>) src(%arg9 : memref<112x64xf32, #tpu.memory_space<vmem>>) dst(%dma_wait3A_110 : memref<10112x64xf32, #tpu.memory_space<vmem_shared>>)
      %dma_wait3A_111 = arith.constant 0 : i32
      %dma_wait3A_112 = tpu.memref_slice %arg8[%add3A_70, %dma_wait3A_111] : memref<92x112xi32, #tpu.memory_space<vmem>> -> memref<1x112xi32, #tpu.memory_space<vmem>>
      %dma_wait3A_113 = tpu.memref_squeeze %dma_wait3A_112 : memref<1x112xi32, #tpu.memory_space<vmem>> -> memref<112xi32, #tpu.memory_space<vmem>>
      %dma_wait3A_114 = arith.constant 0 : i32
      %dma_wait3A_115 = arith.constant 0 : i32
      %dma_wait3A_116 = tpu.memref_slice %arg13[%dma_wait3A_114, %dma_wait3A_115] : memref<10112x64xf32, #tpu.memory_space<vmem_shared>> -> memref<10112x64xf32, #tpu.memory_space<vmem_shared>>
      tpu.wait_indirect_dma semaphore(%arg20 : memref<!tpu.dma_semaphore, #tpu.memory_space<semaphore_mem>>) src(%arg10 : memref<112x64xf32, #tpu.memory_space<vmem>>) dst(%dma_wait3A_116 : memref<10112x64xf32, #tpu.memory_space<vmem_shared>>)
      %dma_wait3A_117 = arith.constant 0 : i32
      %dma_wait3A_118 = tpu.memref_slice %arg8[%add3A_84, %dma_wait3A_117] : memref<92x112xi32, #tpu.memory_space<vmem>> -> memref<1x112xi32, #tpu.memory_space<vmem>>
      %dma_wait3A_119 = tpu.memref_squeeze %dma_wait3A_118 : memref<1x112xi32, #tpu.memory_space<vmem>> -> memref<112xi32, #tpu.memory_space<vmem>>
      %dma_wait3A_120 = arith.constant 0 : i32
      %dma_wait3A_121 = arith.constant 0 : i32
      %dma_wait3A_122 = tpu.memref_slice %arg13[%dma_wait3A_120, %dma_wait3A_121] : memref<10112x64xf32, #tpu.memory_space<vmem_shared>> -> memref<10112x64xf32, #tpu.memory_space<vmem_shared>>
      tpu.wait_indirect_dma semaphore(%arg21 : memref<!tpu.dma_semaphore, #tpu.memory_space<semaphore_mem>>) src(%arg11 : memref<112x64xf32, #tpu.memory_space<vmem>>) dst(%dma_wait3A_122 : memref<10112x64xf32, #tpu.memory_space<vmem_shared>>)
      %dma_wait3A_123 = arith.constant 0 : i32
      %dma_wait3A_124 = tpu.memref_slice %arg8[%add3A_98, %dma_wait3A_123] : memref<92x112xi32, #tpu.memory_space<vmem>> -> memref<1x112xi32, #tpu.memory_space<vmem>>
      %dma_wait3A_125 = tpu.memref_squeeze %dma_wait3A_124 : memref<1x112xi32, #tpu.memory_space<vmem>> -> memref<112xi32, #tpu.memory_space<vmem>>
      %dma_wait3A_126 = arith.constant 0 : i32
      %dma_wait3A_127 = arith.constant 0 : i32
      %dma_wait3A_128 = tpu.memref_slice %arg13[%dma_wait3A_126, %dma_wait3A_127] : memref<10112x64xf32, #tpu.memory_space<vmem_shared>> -> memref<10112x64xf32, #tpu.memory_space<vmem_shared>>
      tpu.wait_indirect_dma semaphore(%arg22 : memref<!tpu.dma_semaphore, #tpu.memory_space<semaphore_mem>>) src(%arg12 : memref<112x64xf32, #tpu.memory_space<vmem>>) dst(%dma_wait3A_128 : memref<10112x64xf32, #tpu.memory_space<vmem_shared>>)
    }
    %scan3A_11 = arith.constant 23 : i32
    %barrier3A_12 = arith.constant 0 : index
    tpu.barrier barrier_id(%barrier3A_12)
    %mul3A_13 = arith.constant 632 : i32
    %mul3A_14 = arith.muli %arg1, %mul3A_13 : i32
    %mul3A_15 = arith.constant 632 : i32
    %mul3A_16 = arith.muli %arg1, %mul3A_15 : i32
    "tpu.region"() ({
      %run_scoped3A = tpu.sem_alloc : memref<!tpu.dma_semaphore, #tpu.memory_space<semaphore_mem>>
      %dma_start3A = arith.constant 0 : i32
      %dma_start3A_17 = tpu.memref_slice %arg6[%arg0, %mul3A_16, %dma_start3A] : memref<2x10112x64xf32, #tpu.memory_space<hbm>> -> memref<1x632x64xf32, #tpu.memory_space<hbm>>
      %dma_start3A_18 = tpu.memref_squeeze %dma_start3A_17 : memref<1x632x64xf32, #tpu.memory_space<hbm>> -> memref<632x64xf32, #tpu.memory_space<hbm>>
      %dma_start3A_19 = arith.constant 0 : i32
      %dma_start3A_20 = tpu.memref_slice %arg13[%mul3A_14, %dma_start3A_19] : memref<10112x64xf32, #tpu.memory_space<vmem_shared>> -> memref<632x64xf32, #tpu.memory_space<vmem_shared>>
      tpu.enqueue_dma source(%dma_start3A_20 : memref<632x64xf32, #tpu.memory_space<vmem_shared>>) target(%dma_start3A_18 : memref<632x64xf32, #tpu.memory_space<hbm>>) target_semaphore(%run_scoped3A : memref<!tpu.dma_semaphore, #tpu.memory_space<semaphore_mem>>)
      %dma_wait3A = arith.constant 0 : i32
      %dma_wait3A_21 = tpu.memref_slice %arg6[%arg0, %mul3A_16, %dma_wait3A] : memref<2x10112x64xf32, #tpu.memory_space<hbm>> -> memref<1x632x64xf32, #tpu.memory_space<hbm>>
      %dma_wait3A_22 = tpu.memref_squeeze %dma_wait3A_21 : memref<1x632x64xf32, #tpu.memory_space<hbm>> -> memref<632x64xf32, #tpu.memory_space<hbm>>
      %dma_wait3A_23 = arith.constant 0 : i32
      %dma_wait3A_24 = tpu.memref_slice %arg13[%mul3A_14, %dma_wait3A_23] : memref<10112x64xf32, #tpu.memory_space<vmem_shared>> -> memref<632x64xf32, #tpu.memory_space<vmem_shared>>
      tpu.wait_dma2 semaphore(%run_scoped3A : memref<!tpu.dma_semaphore, #tpu.memory_space<semaphore_mem>>) src(%dma_wait3A_24 : memref<632x64xf32, #tpu.memory_space<vmem_shared>>) dst(%dma_wait3A_22 : memref<632x64xf32, #tpu.memory_space<hbm>>)
      tpu.yield
    }) : () -> ()
    return
  }
}

#map = affine_map<(d0, d1) -> (0, 0)>
#map1 = affine_map<(d0, d1) -> (0, 0, 0, 0)>
#map2 = affine_map<(d0, d1) -> (0, 0, 0)>
module attributes {stable_mosaic.version = 14 : i64} {
  func.func @k(%arg0: i32, %arg1: i32, %arg2: memref<10112x64xf32, #tpu.memory_space<hbm>>, %arg3: memref<2x16x92x112xi32, #tpu.memory_space<hbm>>, %arg4: memref<2x16x92x112xi32, #tpu.memory_space<hbm>>, %arg5: memref<10112x64xf32, #tpu.memory_space<hbm>>, %arg6: memref<2x10112x64xf32, #tpu.memory_space<hbm>>, %arg7: memref<92x112xi32, #tpu.memory_space<vmem>>, %arg8: memref<92x112xi32, #tpu.memory_space<vmem>>, %arg9: memref<112x64xf32, #tpu.memory_space<vmem>>, %arg10: memref<112x64xf32, #tpu.memory_space<vmem>>, %arg11: memref<112x64xf32, #tpu.memory_space<vmem>>, %arg12: memref<112x64xf32, #tpu.memory_space<vmem>>, %arg13: memref<10112x64xf32, #tpu.memory_space<vmem_shared>>, %arg14: memref<10112x64xf32, #tpu.memory_space<vmem_shared>>, %arg15: memref<!tpu.dma_semaphore, #tpu.memory_space<semaphore_mem>>, %arg16: memref<!tpu.dma_semaphore, #tpu.memory_space<semaphore_mem>>, %arg17: memref<!tpu.dma_semaphore, #tpu.memory_space<semaphore_mem>>, %arg18: memref<!tpu.dma_semaphore, #tpu.memory_space<semaphore_mem>>, %arg19: memref<!tpu.dma_semaphore, #tpu.memory_space<semaphore_mem>>, %arg20: memref<!tpu.dma_semaphore, #tpu.memory_space<semaphore_mem>>, %arg21: memref<!tpu.dma_semaphore, #tpu.memory_space<semaphore_mem>>, %arg22: memref<!tpu.dma_semaphore, #tpu.memory_space<semaphore_mem>>) attributes {dimension_semantics = [#tpu.dimension_semantics<core_parallel>, #tpu.dimension_semantics<subcore_parallel>], iteration_bounds = array<i64: 2, 16>, scalar_prefetch = 0 : i64, scratch_operands = 16 : i64, tpu.core_type = #tpu.core_type<sc_vector_subcore>, window_params = [{transform_indices = #map}, {transform_indices = #map1}, {transform_indices = #map1}, {transform_indices = #map}, {transform_indices = #map2}]} {
    "tpu.region"() ({
      %run_scoped3A = tpu.sem_alloc : memref<!tpu.dma_semaphore, #tpu.memory_space<semaphore_mem>>
      %dma_start3A = arith.constant 0 : i32
      %dma_start3A_17 = arith.constant 0 : i32
      %dma_start3A_18 = tpu.memref_slice %arg3[%arg0, %arg1, %dma_start3A, %dma_start3A_17] : memref<2x16x92x112xi32, #tpu.memory_space<hbm>> -> memref<1x1x92x112xi32, #tpu.memory_space<hbm>>
      %dma_start3A_19 = tpu.memref_squeeze %dma_start3A_18 : memref<1x1x92x112xi32, #tpu.memory_space<hbm>> -> memref<92x112xi32, #tpu.memory_space<hbm>>
      %dma_start3A_20 = arith.constant 0 : i32
      %dma_start3A_21 = arith.constant 0 : i32
      %dma_start3A_22 = tpu.memref_slice %arg3[%arg0, %arg1, %dma_start3A_20, %dma_start3A_21] : memref<2x16x92x112xi32, #tpu.memory_space<hbm>> -> memref<1x1x92x112xi32, #tpu.memory_space<hbm>>
      %dma_start3A_23 = tpu.memref_squeeze %dma_start3A_22 : memref<1x1x92x112xi32, #tpu.memory_space<hbm>> -> memref<92x112xi32, #tpu.memory_space<hbm>>
      tpu.enqueue_dma source(%dma_start3A_23 : memref<92x112xi32, #tpu.memory_space<hbm>>) target(%arg7 : memref<92x112xi32, #tpu.memory_space<vmem>>) target_semaphore(%run_scoped3A : memref<!tpu.dma_semaphore, #tpu.memory_space<semaphore_mem>>)
      %dma_wait3A = arith.constant 0 : i32
      %dma_wait3A_24 = arith.constant 0 : i32
      %dma_wait3A_25 = tpu.memref_slice %arg3[%arg0, %arg1, %dma_wait3A, %dma_wait3A_24] : memref<2x16x92x112xi32, #tpu.memory_space<hbm>> -> memref<1x1x92x112xi32, #tpu.memory_space<hbm>>
      %dma_wait3A_26 = tpu.memref_squeeze %dma_wait3A_25 : memref<1x1x92x112xi32, #tpu.memory_space<hbm>> -> memref<92x112xi32, #tpu.memory_space<hbm>>
      %dma_wait3A_27 = arith.constant 0 : i32
      %dma_wait3A_28 = arith.constant 0 : i32
      %dma_wait3A_29 = tpu.memref_slice %arg3[%arg0, %arg1, %dma_wait3A_27, %dma_wait3A_28] : memref<2x16x92x112xi32, #tpu.memory_space<hbm>> -> memref<1x1x92x112xi32, #tpu.memory_space<hbm>>
      %dma_wait3A_30 = tpu.memref_squeeze %dma_wait3A_29 : memref<1x1x92x112xi32, #tpu.memory_space<hbm>> -> memref<92x112xi32, #tpu.memory_space<hbm>>
      tpu.wait_dma2 semaphore(%run_scoped3A : memref<!tpu.dma_semaphore, #tpu.memory_space<semaphore_mem>>) src(%dma_wait3A_30 : memref<92x112xi32, #tpu.memory_space<hbm>>) dst(%arg7 : memref<92x112xi32, #tpu.memory_space<vmem>>)
      tpu.yield
    }) : () -> ()
    "tpu.region"() ({
      %run_scoped3A = tpu.sem_alloc : memref<!tpu.dma_semaphore, #tpu.memory_space<semaphore_mem>>
      %dma_start3A = arith.constant 0 : i32
      %dma_start3A_17 = arith.constant 0 : i32
      %dma_start3A_18 = tpu.memref_slice %arg4[%arg0, %arg1, %dma_start3A, %dma_start3A_17] : memref<2x16x92x112xi32, #tpu.memory_space<hbm>> -> memref<1x1x92x112xi32, #tpu.memory_space<hbm>>
      %dma_start3A_19 = tpu.memref_squeeze %dma_start3A_18 : memref<1x1x92x112xi32, #tpu.memory_space<hbm>> -> memref<92x112xi32, #tpu.memory_space<hbm>>
      %dma_start3A_20 = arith.constant 0 : i32
      %dma_start3A_21 = arith.constant 0 : i32
      %dma_start3A_22 = tpu.memref_slice %arg4[%arg0, %arg1, %dma_start3A_20, %dma_start3A_21] : memref<2x16x92x112xi32, #tpu.memory_space<hbm>> -> memref<1x1x92x112xi32, #tpu.memory_space<hbm>>
      %dma_start3A_23 = tpu.memref_squeeze %dma_start3A_22 : memref<1x1x92x112xi32, #tpu.memory_space<hbm>> -> memref<92x112xi32, #tpu.memory_space<hbm>>
      tpu.enqueue_dma source(%dma_start3A_23 : memref<92x112xi32, #tpu.memory_space<hbm>>) target(%arg8 : memref<92x112xi32, #tpu.memory_space<vmem>>) target_semaphore(%run_scoped3A : memref<!tpu.dma_semaphore, #tpu.memory_space<semaphore_mem>>)
      %dma_wait3A = arith.constant 0 : i32
      %dma_wait3A_24 = arith.constant 0 : i32
      %dma_wait3A_25 = tpu.memref_slice %arg4[%arg0, %arg1, %dma_wait3A, %dma_wait3A_24] : memref<2x16x92x112xi32, #tpu.memory_space<hbm>> -> memref<1x1x92x112xi32, #tpu.memory_space<hbm>>
      %dma_wait3A_26 = tpu.memref_squeeze %dma_wait3A_25 : memref<1x1x92x112xi32, #tpu.memory_space<hbm>> -> memref<92x112xi32, #tpu.memory_space<hbm>>
      %dma_wait3A_27 = arith.constant 0 : i32
      %dma_wait3A_28 = arith.constant 0 : i32
      %dma_wait3A_29 = tpu.memref_slice %arg4[%arg0, %arg1, %dma_wait3A_27, %dma_wait3A_28] : memref<2x16x92x112xi32, #tpu.memory_space<hbm>> -> memref<1x1x92x112xi32, #tpu.memory_space<hbm>>
      %dma_wait3A_30 = tpu.memref_squeeze %dma_wait3A_29 : memref<1x1x92x112xi32, #tpu.memory_space<hbm>> -> memref<92x112xi32, #tpu.memory_space<hbm>>
      tpu.wait_dma2 semaphore(%run_scoped3A : memref<!tpu.dma_semaphore, #tpu.memory_space<semaphore_mem>>) src(%dma_wait3A_30 : memref<92x112xi32, #tpu.memory_space<hbm>>) dst(%arg8 : memref<92x112xi32, #tpu.memory_space<vmem>>)
      tpu.yield
    }) : () -> ()
    %mul3A = arith.constant 632 : i32
    %mul3A_0 = arith.muli %arg1, %mul3A : i32
    %mul3A_1 = arith.constant 632 : i32
    %mul3A_2 = arith.muli %arg1, %mul3A_1 : i32
    "tpu.region"() ({
      %run_scoped3A = tpu.sem_alloc : memref<!tpu.dma_semaphore, #tpu.memory_space<semaphore_mem>>
      %dma_start3A = arith.constant 0 : i32
      %dma_start3A_17 = tpu.memref_slice %arg14[%mul3A_2, %dma_start3A] : memref<10112x64xf32, #tpu.memory_space<vmem_shared>> -> memref<632x64xf32, #tpu.memory_space<vmem_shared>>
      %dma_start3A_18 = arith.constant 0 : i32
      %dma_start3A_19 = tpu.memref_slice %arg2[%mul3A_0, %dma_start3A_18] : memref<10112x64xf32, #tpu.memory_space<hbm>> -> memref<632x64xf32, #tpu.memory_space<hbm>>
      tpu.enqueue_dma source(%dma_start3A_19 : memref<632x64xf32, #tpu.memory_space<hbm>>) target(%dma_start3A_17 : memref<632x64xf32, #tpu.memory_space<vmem_shared>>) target_semaphore(%run_scoped3A : memref<!tpu.dma_semaphore, #tpu.memory_space<semaphore_mem>>)
      %dma_wait3A = arith.constant 0 : i32
      %dma_wait3A_20 = tpu.memref_slice %arg14[%mul3A_2, %dma_wait3A] : memref<10112x64xf32, #tpu.memory_space<vmem_shared>> -> memref<632x64xf32, #tpu.memory_space<vmem_shared>>
      %dma_wait3A_21 = arith.constant 0 : i32
      %dma_wait3A_22 = tpu.memref_slice %arg2[%mul3A_0, %dma_wait3A_21] : memref<10112x64xf32, #tpu.memory_space<hbm>> -> memref<632x64xf32, #tpu.memory_space<hbm>>
      tpu.wait_dma2 semaphore(%run_scoped3A : memref<!tpu.dma_semaphore, #tpu.memory_space<semaphore_mem>>) src(%dma_wait3A_22 : memref<632x64xf32, #tpu.memory_space<hbm>>) dst(%dma_wait3A_20 : memref<632x64xf32, #tpu.memory_space<vmem_shared>>)
      tpu.yield
    }) : () -> ()
    %mul3A_3 = arith.constant 632 : i32
    %mul3A_4 = arith.muli %arg1, %mul3A_3 : i32
    %mul3A_5 = arith.constant 632 : i32
    %mul3A_6 = arith.muli %arg1, %mul3A_5 : i32
    "tpu.region"() ({
      %run_scoped3A = tpu.sem_alloc : memref<!tpu.dma_semaphore, #tpu.memory_space<semaphore_mem>>
      %dma_start3A = arith.constant 0 : i32
      %dma_start3A_17 = tpu.memref_slice %arg13[%mul3A_6, %dma_start3A] : memref<10112x64xf32, #tpu.memory_space<vmem_shared>> -> memref<632x64xf32, #tpu.memory_space<vmem_shared>>
      %dma_start3A_18 = arith.constant 0 : i32
      %dma_start3A_19 = tpu.memref_slice %arg5[%mul3A_4, %dma_start3A_18] : memref<10112x64xf32, #tpu.memory_space<hbm>> -> memref<632x64xf32, #tpu.memory_space<hbm>>
      tpu.enqueue_dma source(%dma_start3A_19 : memref<632x64xf32, #tpu.memory_space<hbm>>) target(%dma_start3A_17 : memref<632x64xf32, #tpu.memory_space<vmem_shared>>) target_semaphore(%run_scoped3A : memref<!tpu.dma_semaphore, #tpu.memory_space<semaphore_mem>>)
      %dma_wait3A = arith.constant 0 : i32
      %dma_wait3A_20 = tpu.memref_slice %arg13[%mul3A_6, %dma_wait3A] : memref<10112x64xf32, #tpu.memory_space<vmem_shared>> -> memref<632x64xf32, #tpu.memory_space<vmem_shared>>
      %dma_wait3A_21 = arith.constant 0 : i32
      %dma_wait3A_22 = tpu.memref_slice %arg5[%mul3A_4, %dma_wait3A_21] : memref<10112x64xf32, #tpu.memory_space<hbm>> -> memref<632x64xf32, #tpu.memory_space<hbm>>
      tpu.wait_dma2 semaphore(%run_scoped3A : memref<!tpu.dma_semaphore, #tpu.memory_space<semaphore_mem>>) src(%dma_wait3A_22 : memref<632x64xf32, #tpu.memory_space<hbm>>) dst(%dma_wait3A_20 : memref<632x64xf32, #tpu.memory_space<vmem_shared>>)
      tpu.yield
    }) : () -> ()
    %barrier3A = arith.constant 0 : index
    tpu.barrier barrier_id(%barrier3A)
    %scan3A = arith.constant 0 : i32
    %scan3A_7 = arith.constant 0 : i32
    %scan3A_8 = arith.constant 23 : i32
    %scan3A_9 = arith.addi %scan3A_7, %scan3A_8 : i32
    %scan3A_10 = arith.constant 1 : i32
    scf.for %scan3A_17 = %scan3A_7 to %scan3A_9 step %scan3A_10  : i32 {
      %mul3A_18 = arith.constant 4 : i32
      %mul3A_19 = arith.muli %scan3A_17, %mul3A_18 : i32
      %add3A = arith.constant 0 : i32
      %add3A_20 = arith.addi %mul3A_19, %add3A : i32
      %dma_start3A = arith.constant 0 : i32
      %dma_start3A_21 = tpu.memref_slice %arg7[%add3A_20, %dma_start3A] : memref<92x112xi32, #tpu.memory_space<vmem>> -> memref<1x112xi32, #tpu.memory_space<vmem>>
      %dma_start3A_22 = tpu.memref_squeeze %dma_start3A_21 : memref<1x112xi32, #tpu.memory_space<vmem>> -> memref<112xi32, #tpu.memory_space<vmem>>
      %dma_start3A_23 = arith.constant 0 : i32
      %dma_start3A_24 = arith.constant 0 : i32
      %dma_start3A_25 = tpu.memref_slice %arg14[%dma_start3A_23, %dma_start3A_24] : memref<10112x64xf32, #tpu.memory_space<vmem_shared>> -> memref<10112x64xf32, #tpu.memory_space<vmem_shared>>
      tpu.enqueue_indirect_dma source(%dma_start3A_25 : memref<10112x64xf32, #tpu.memory_space<vmem_shared>>) target(%arg9 : memref<112x64xf32, #tpu.memory_space<vmem>>) offsets(%dma_start3A_22 : memref<112xi32, #tpu.memory_space<vmem>>) semaphore(%arg15 : memref<!tpu.dma_semaphore, #tpu.memory_space<semaphore_mem>>)
      %add3A_26 = arith.constant 1 : i32
      %add3A_27 = arith.addi %mul3A_19, %add3A_26 : i32
      %dma_start3A_28 = arith.constant 0 : i32
      %dma_start3A_29 = tpu.memref_slice %arg7[%add3A_27, %dma_start3A_28] : memref<92x112xi32, #tpu.memory_space<vmem>> -> memref<1x112xi32, #tpu.memory_space<vmem>>
      %dma_start3A_30 = tpu.memref_squeeze %dma_start3A_29 : memref<1x112xi32, #tpu.memory_space<vmem>> -> memref<112xi32, #tpu.memory_space<vmem>>
      %dma_start3A_31 = arith.constant 0 : i32
      %dma_start3A_32 = arith.constant 0 : i32
      %dma_start3A_33 = tpu.memref_slice %arg14[%dma_start3A_31, %dma_start3A_32] : memref<10112x64xf32, #tpu.memory_space<vmem_shared>> -> memref<10112x64xf32, #tpu.memory_space<vmem_shared>>
      tpu.enqueue_indirect_dma source(%dma_start3A_33 : memref<10112x64xf32, #tpu.memory_space<vmem_shared>>) target(%arg10 : memref<112x64xf32, #tpu.memory_space<vmem>>) offsets(%dma_start3A_30 : memref<112xi32, #tpu.memory_space<vmem>>) semaphore(%arg16 : memref<!tpu.dma_semaphore, #tpu.memory_space<semaphore_mem>>)
      %add3A_34 = arith.constant 2 : i32
      %add3A_35 = arith.addi %mul3A_19, %add3A_34 : i32
      %dma_start3A_36 = arith.constant 0 : i32
      %dma_start3A_37 = tpu.memref_slice %arg7[%add3A_35, %dma_start3A_36] : memref<92x112xi32, #tpu.memory_space<vmem>> -> memref<1x112xi32, #tpu.memory_space<vmem>>
      %dma_start3A_38 = tpu.memref_squeeze %dma_start3A_37 : memref<1x112xi32, #tpu.memory_space<vmem>> -> memref<112xi32, #tpu.memory_space<vmem>>
      %dma_start3A_39 = arith.constant 0 : i32
      %dma_start3A_40 = arith.constant 0 : i32
      %dma_start3A_41 = tpu.memref_slice %arg14[%dma_start3A_39, %dma_start3A_40] : memref<10112x64xf32, #tpu.memory_space<vmem_shared>> -> memref<10112x64xf32, #tpu.memory_space<vmem_shared>>
      tpu.enqueue_indirect_dma source(%dma_start3A_41 : memref<10112x64xf32, #tpu.memory_space<vmem_shared>>) target(%arg11 : memref<112x64xf32, #tpu.memory_space<vmem>>) offsets(%dma_start3A_38 : memref<112xi32, #tpu.memory_space<vmem>>) semaphore(%arg17 : memref<!tpu.dma_semaphore, #tpu.memory_space<semaphore_mem>>)
      %add3A_42 = arith.constant 3 : i32
      %add3A_43 = arith.addi %mul3A_19, %add3A_42 : i32
      %dma_start3A_44 = arith.constant 0 : i32
      %dma_start3A_45 = tpu.memref_slice %arg7[%add3A_43, %dma_start3A_44] : memref<92x112xi32, #tpu.memory_space<vmem>> -> memref<1x112xi32, #tpu.memory_space<vmem>>
      %dma_start3A_46 = tpu.memref_squeeze %dma_start3A_45 : memref<1x112xi32, #tpu.memory_space<vmem>> -> memref<112xi32, #tpu.memory_space<vmem>>
      %dma_start3A_47 = arith.constant 0 : i32
      %dma_start3A_48 = arith.constant 0 : i32
      %dma_start3A_49 = tpu.memref_slice %arg14[%dma_start3A_47, %dma_start3A_48] : memref<10112x64xf32, #tpu.memory_space<vmem_shared>> -> memref<10112x64xf32, #tpu.memory_space<vmem_shared>>
      tpu.enqueue_indirect_dma source(%dma_start3A_49 : memref<10112x64xf32, #tpu.memory_space<vmem_shared>>) target(%arg12 : memref<112x64xf32, #tpu.memory_space<vmem>>) offsets(%dma_start3A_46 : memref<112xi32, #tpu.memory_space<vmem>>) semaphore(%arg18 : memref<!tpu.dma_semaphore, #tpu.memory_space<semaphore_mem>>)
      %dma_wait3A = arith.constant 0 : i32
      %dma_wait3A_50 = tpu.memref_slice %arg7[%add3A_20, %dma_wait3A] : memref<92x112xi32, #tpu.memory_space<vmem>> -> memref<1x112xi32, #tpu.memory_space<vmem>>
      %dma_wait3A_51 = tpu.memref_squeeze %dma_wait3A_50 : memref<1x112xi32, #tpu.memory_space<vmem>> -> memref<112xi32, #tpu.memory_space<vmem>>
      %dma_wait3A_52 = arith.constant 0 : i32
      %dma_wait3A_53 = arith.constant 0 : i32
      %dma_wait3A_54 = tpu.memref_slice %arg14[%dma_wait3A_52, %dma_wait3A_53] : memref<10112x64xf32, #tpu.memory_space<vmem_shared>> -> memref<10112x64xf32, #tpu.memory_space<vmem_shared>>
      tpu.wait_indirect_dma semaphore(%arg15 : memref<!tpu.dma_semaphore, #tpu.memory_space<semaphore_mem>>) src(%dma_wait3A_54 : memref<10112x64xf32, #tpu.memory_space<vmem_shared>>) dst(%arg9 : memref<112x64xf32, #tpu.memory_space<vmem>>)
      %add3A_55 = arith.constant 0 : i32
      %add3A_56 = arith.addi %mul3A_19, %add3A_55 : i32
      %dma_start3A_57 = arith.constant 0 : i32
      %dma_start3A_58 = tpu.memref_slice %arg8[%add3A_56, %dma_start3A_57] : memref<92x112xi32, #tpu.memory_space<vmem>> -> memref<1x112xi32, #tpu.memory_space<vmem>>
      %dma_start3A_59 = tpu.memref_squeeze %dma_start3A_58 : memref<1x112xi32, #tpu.memory_space<vmem>> -> memref<112xi32, #tpu.memory_space<vmem>>
      %dma_start3A_60 = arith.constant 0 : i32
      %dma_start3A_61 = arith.constant 0 : i32
      %dma_start3A_62 = tpu.memref_slice %arg13[%dma_start3A_60, %dma_start3A_61] : memref<10112x64xf32, #tpu.memory_space<vmem_shared>> -> memref<10112x64xf32, #tpu.memory_space<vmem_shared>>
      tpu.enqueue_indirect_dma source(%arg9 : memref<112x64xf32, #tpu.memory_space<vmem>>) target(%dma_start3A_62 : memref<10112x64xf32, #tpu.memory_space<vmem_shared>>) offsets(%dma_start3A_59 : memref<112xi32, #tpu.memory_space<vmem>>) semaphore(%arg19 : memref<!tpu.dma_semaphore, #tpu.memory_space<semaphore_mem>>) {add = true}
      %dma_wait3A_63 = arith.constant 0 : i32
      %dma_wait3A_64 = tpu.memref_slice %arg7[%add3A_27, %dma_wait3A_63] : memref<92x112xi32, #tpu.memory_space<vmem>> -> memref<1x112xi32, #tpu.memory_space<vmem>>
      %dma_wait3A_65 = tpu.memref_squeeze %dma_wait3A_64 : memref<1x112xi32, #tpu.memory_space<vmem>> -> memref<112xi32, #tpu.memory_space<vmem>>
      %dma_wait3A_66 = arith.constant 0 : i32
      %dma_wait3A_67 = arith.constant 0 : i32
      %dma_wait3A_68 = tpu.memref_slice %arg14[%dma_wait3A_66, %dma_wait3A_67] : memref<10112x64xf32, #tpu.memory_space<vmem_shared>> -> memref<10112x64xf32, #tpu.memory_space<vmem_shared>>
      tpu.wait_indirect_dma semaphore(%arg16 : memref<!tpu.dma_semaphore, #tpu.memory_space<semaphore_mem>>) src(%dma_wait3A_68 : memref<10112x64xf32, #tpu.memory_space<vmem_shared>>) dst(%arg10 : memref<112x64xf32, #tpu.memory_space<vmem>>)
      %add3A_69 = arith.constant 1 : i32
      %add3A_70 = arith.addi %mul3A_19, %add3A_69 : i32
      %dma_start3A_71 = arith.constant 0 : i32
      %dma_start3A_72 = tpu.memref_slice %arg8[%add3A_70, %dma_start3A_71] : memref<92x112xi32, #tpu.memory_space<vmem>> -> memref<1x112xi32, #tpu.memory_space<vmem>>
      %dma_start3A_73 = tpu.memref_squeeze %dma_start3A_72 : memref<1x112xi32, #tpu.memory_space<vmem>> -> memref<112xi32, #tpu.memory_space<vmem>>
      %dma_start3A_74 = arith.constant 0 : i32
      %dma_start3A_75 = arith.constant 0 : i32
      %dma_start3A_76 = tpu.memref_slice %arg13[%dma_start3A_74, %dma_start3A_75] : memref<10112x64xf32, #tpu.memory_space<vmem_shared>> -> memref<10112x64xf32, #tpu.memory_space<vmem_shared>>
      tpu.enqueue_indirect_dma source(%arg10 : memref<112x64xf32, #tpu.memory_space<vmem>>) target(%dma_start3A_76 : memref<10112x64xf32, #tpu.memory_space<vmem_shared>>) offsets(%dma_start3A_73 : memref<112xi32, #tpu.memory_space<vmem>>) semaphore(%arg20 : memref<!tpu.dma_semaphore, #tpu.memory_space<semaphore_mem>>) {add = true}
      %dma_wait3A_77 = arith.constant 0 : i32
      %dma_wait3A_78 = tpu.memref_slice %arg7[%add3A_35, %dma_wait3A_77] : memref<92x112xi32, #tpu.memory_space<vmem>> -> memref<1x112xi32, #tpu.memory_space<vmem>>
      %dma_wait3A_79 = tpu.memref_squeeze %dma_wait3A_78 : memref<1x112xi32, #tpu.memory_space<vmem>> -> memref<112xi32, #tpu.memory_space<vmem>>
      %dma_wait3A_80 = arith.constant 0 : i32
      %dma_wait3A_81 = arith.constant 0 : i32
      %dma_wait3A_82 = tpu.memref_slice %arg14[%dma_wait3A_80, %dma_wait3A_81] : memref<10112x64xf32, #tpu.memory_space<vmem_shared>> -> memref<10112x64xf32, #tpu.memory_space<vmem_shared>>
      tpu.wait_indirect_dma semaphore(%arg17 : memref<!tpu.dma_semaphore, #tpu.memory_space<semaphore_mem>>) src(%dma_wait3A_82 : memref<10112x64xf32, #tpu.memory_space<vmem_shared>>) dst(%arg11 : memref<112x64xf32, #tpu.memory_space<vmem>>)
      %add3A_83 = arith.constant 2 : i32
      %add3A_84 = arith.addi %mul3A_19, %add3A_83 : i32
      %dma_start3A_85 = arith.constant 0 : i32
      %dma_start3A_86 = tpu.memref_slice %arg8[%add3A_84, %dma_start3A_85] : memref<92x112xi32, #tpu.memory_space<vmem>> -> memref<1x112xi32, #tpu.memory_space<vmem>>
      %dma_start3A_87 = tpu.memref_squeeze %dma_start3A_86 : memref<1x112xi32, #tpu.memory_space<vmem>> -> memref<112xi32, #tpu.memory_space<vmem>>
      %dma_start3A_88 = arith.constant 0 : i32
      %dma_start3A_89 = arith.constant 0 : i32
      %dma_start3A_90 = tpu.memref_slice %arg13[%dma_start3A_88, %dma_start3A_89] : memref<10112x64xf32, #tpu.memory_space<vmem_shared>> -> memref<10112x64xf32, #tpu.memory_space<vmem_shared>>
      tpu.enqueue_indirect_dma source(%arg11 : memref<112x64xf32, #tpu.memory_space<vmem>>) target(%dma_start3A_90 : memref<10112x64xf32, #tpu.memory_space<vmem_shared>>) offsets(%dma_start3A_87 : memref<112xi32, #tpu.memory_space<vmem>>) semaphore(%arg21 : memref<!tpu.dma_semaphore, #tpu.memory_space<semaphore_mem>>) {add = true}
      %dma_wait3A_91 = arith.constant 0 : i32
      %dma_wait3A_92 = tpu.memref_slice %arg7[%add3A_43, %dma_wait3A_91] : memref<92x112xi32, #tpu.memory_space<vmem>> -> memref<1x112xi32, #tpu.memory_space<vmem>>
      %dma_wait3A_93 = tpu.memref_squeeze %dma_wait3A_92 : memref<1x112xi32, #tpu.memory_space<vmem>> -> memref<112xi32, #tpu.memory_space<vmem>>
      %dma_wait3A_94 = arith.constant 0 : i32
      %dma_wait3A_95 = arith.constant 0 : i32
      %dma_wait3A_96 = tpu.memref_slice %arg14[%dma_wait3A_94, %dma_wait3A_95] : memref<10112x64xf32, #tpu.memory_space<vmem_shared>> -> memref<10112x64xf32, #tpu.memory_space<vmem_shared>>
      tpu.wait_indirect_dma semaphore(%arg18 : memref<!tpu.dma_semaphore, #tpu.memory_space<semaphore_mem>>) src(%dma_wait3A_96 : memref<10112x64xf32, #tpu.memory_space<vmem_shared>>) dst(%arg12 : memref<112x64xf32, #tpu.memory_space<vmem>>)
      %add3A_97 = arith.constant 3 : i32
      %add3A_98 = arith.addi %mul3A_19, %add3A_97 : i32
      %dma_start3A_99 = arith.constant 0 : i32
      %dma_start3A_100 = tpu.memref_slice %arg8[%add3A_98, %dma_start3A_99] : memref<92x112xi32, #tpu.memory_space<vmem>> -> memref<1x112xi32, #tpu.memory_space<vmem>>
      %dma_start3A_101 = tpu.memref_squeeze %dma_start3A_100 : memref<1x112xi32, #tpu.memory_space<vmem>> -> memref<112xi32, #tpu.memory_space<vmem>>
      %dma_start3A_102 = arith.constant 0 : i32
      %dma_start3A_103 = arith.constant 0 : i32
      %dma_start3A_104 = tpu.memref_slice %arg13[%dma_start3A_102, %dma_start3A_103] : memref<10112x64xf32, #tpu.memory_space<vmem_shared>> -> memref<10112x64xf32, #tpu.memory_space<vmem_shared>>
      tpu.enqueue_indirect_dma source(%arg12 : memref<112x64xf32, #tpu.memory_space<vmem>>) target(%dma_start3A_104 : memref<10112x64xf32, #tpu.memory_space<vmem_shared>>) offsets(%dma_start3A_101 : memref<112xi32, #tpu.memory_space<vmem>>) semaphore(%arg22 : memref<!tpu.dma_semaphore, #tpu.memory_space<semaphore_mem>>) {add = true}
      %dma_wait3A_105 = arith.constant 0 : i32
      %dma_wait3A_106 = tpu.memref_slice %arg8[%add3A_56, %dma_wait3A_105] : memref<92x112xi32, #tpu.memory_space<vmem>> -> memref<1x112xi32, #tpu.memory_space<vmem>>
      %dma_wait3A_107 = tpu.memref_squeeze %dma_wait3A_106 : memref<1x112xi32, #tpu.memory_space<vmem>> -> memref<112xi32, #tpu.memory_space<vmem>>
      %dma_wait3A_108 = arith.constant 0 : i32
      %dma_wait3A_109 = arith.constant 0 : i32
      %dma_wait3A_110 = tpu.memref_slice %arg13[%dma_wait3A_108, %dma_wait3A_109] : memref<10112x64xf32, #tpu.memory_space<vmem_shared>> -> memref<10112x64xf32, #tpu.memory_space<vmem_shared>>
      tpu.wait_indirect_dma semaphore(%arg19 : memref<!tpu.dma_semaphore, #tpu.memory_space<semaphore_mem>>) src(%arg9 : memref<112x64xf32, #tpu.memory_space<vmem>>) dst(%dma_wait3A_110 : memref<10112x64xf32, #tpu.memory_space<vmem_shared>>)
      %dma_wait3A_111 = arith.constant 0 : i32
      %dma_wait3A_112 = tpu.memref_slice %arg8[%add3A_70, %dma_wait3A_111] : memref<92x112xi32, #tpu.memory_space<vmem>> -> memref<1x112xi32, #tpu.memory_space<vmem>>
      %dma_wait3A_113 = tpu.memref_squeeze %dma_wait3A_112 : memref<1x112xi32, #tpu.memory_space<vmem>> -> memref<112xi32, #tpu.memory_space<vmem>>
      %dma_wait3A_114 = arith.constant 0 : i32
      %dma_wait3A_115 = arith.constant 0 : i32
      %dma_wait3A_116 = tpu.memref_slice %arg13[%dma_wait3A_114, %dma_wait3A_115] : memref<10112x64xf32, #tpu.memory_space<vmem_shared>> -> memref<10112x64xf32, #tpu.memory_space<vmem_shared>>
      tpu.wait_indirect_dma semaphore(%arg20 : memref<!tpu.dma_semaphore, #tpu.memory_space<semaphore_mem>>) src(%arg10 : memref<112x64xf32, #tpu.memory_space<vmem>>) dst(%dma_wait3A_116 : memref<10112x64xf32, #tpu.memory_space<vmem_shared>>)
      %dma_wait3A_117 = arith.constant 0 : i32
      %dma_wait3A_118 = tpu.memref_slice %arg8[%add3A_84, %dma_wait3A_117] : memref<92x112xi32, #tpu.memory_space<vmem>> -> memref<1x112xi32, #tpu.memory_space<vmem>>
      %dma_wait3A_119 = tpu.memref_squeeze %dma_wait3A_118 : memref<1x112xi32, #tpu.memory_space<vmem>> -> memref<112xi32, #tpu.memory_space<vmem>>
      %dma_wait3A_120 = arith.constant 0 : i32
      %dma_wait3A_121 = arith.constant 0 : i32
      %dma_wait3A_122 = tpu.memref_slice %arg13[%dma_wait3A_120, %dma_wait3A_121] : memref<10112x64xf32, #tpu.memory_space<vmem_shared>> -> memref<10112x64xf32, #tpu.memory_space<vmem_shared>>
      tpu.wait_indirect_dma semaphore(%arg21 : memref<!tpu.dma_semaphore, #tpu.memory_space<semaphore_mem>>) src(%arg11 : memref<112x64xf32, #tpu.memory_space<vmem>>) dst(%dma_wait3A_122 : memref<10112x64xf32, #tpu.memory_space<vmem_shared>>)
      %dma_wait3A_123 = arith.constant 0 : i32
      %dma_wait3A_124 = tpu.memref_slice %arg8[%add3A_98, %dma_wait3A_123] : memref<92x112xi32, #tpu.memory_space<vmem>> -> memref<1x112xi32, #tpu.memory_space<vmem>>
      %dma_wait3A_125 = tpu.memref_squeeze %dma_wait3A_124 : memref<1x112xi32, #tpu.memory_space<vmem>> -> memref<112xi32, #tpu.memory_space<vmem>>
      %dma_wait3A_126 = arith.constant 0 : i32
      %dma_wait3A_127 = arith.constant 0 : i32
      %dma_wait3A_128 = tpu.memref_slice %arg13[%dma_wait3A_126, %dma_wait3A_127] : memref<10112x64xf32, #tpu.memory_space<vmem_shared>> -> memref<10112x64xf32, #tpu.memory_space<vmem_shared>>
      tpu.wait_indirect_dma semaphore(%arg22 : memref<!tpu.dma_semaphore, #tpu.memory_space<semaphore_mem>>) src(%arg12 : memref<112x64xf32, #tpu.memory_space<vmem>>) dst(%dma_wait3A_128 : memref<10112x64xf32, #tpu.memory_space<vmem_shared>>)
    }
    %scan3A_11 = arith.constant 23 : i32
    %barrier3A_12 = arith.constant 0 : index
    tpu.barrier barrier_id(%barrier3A_12)
    %mul3A_13 = arith.constant 632 : i32
    %mul3A_14 = arith.muli %arg1, %mul3A_13 : i32
    %mul3A_15 = arith.constant 632 : i32
    %mul3A_16 = arith.muli %arg1, %mul3A_15 : i32
    "tpu.region"() ({
      %run_scoped3A = tpu.sem_alloc : memref<!tpu.dma_semaphore, #tpu.memory_space<semaphore_mem>>
      %dma_start3A = arith.constant 0 : i32
      %dma_start3A_17 = tpu.memref_slice %arg6[%arg0, %mul3A_16, %dma_start3A] : memref<2x10112x64xf32, #tpu.memory_space<hbm>> -> memref<1x632x64xf32, #tpu.memory_space<hbm>>
      %dma_start3A_18 = tpu.memref_squeeze %dma_start3A_17 : memref<1x632x64xf32, #tpu.memory_space<hbm>> -> memref<632x64xf32, #tpu.memory_space<hbm>>
      %dma_start3A_19 = arith.constant 0 : i32
      %dma_start3A_20 = tpu.memref_slice %arg13[%mul3A_14, %dma_start3A_19] : memref<10112x64xf32, #tpu.memory_space<vmem_shared>> -> memref<632x64xf32, #tpu.memory_space<vmem_shared>>
      tpu.enqueue_dma source(%dma_start3A_20 : memref<632x64xf32, #tpu.memory_space<vmem_shared>>) target(%dma_start3A_18 : memref<632x64xf32, #tpu.memory_space<hbm>>) target_semaphore(%run_scoped3A : memref<!tpu.dma_semaphore, #tpu.memory_space<semaphore_mem>>)
      %dma_wait3A = arith.constant 0 : i32
      %dma_wait3A_21 = tpu.memref_slice %arg6[%arg0, %mul3A_16, %dma_wait3A] : memref<2x10112x64xf32, #tpu.memory_space<hbm>> -> memref<1x632x64xf32, #tpu.memory_space<hbm>>
      %dma_wait3A_22 = tpu.memref_squeeze %dma_wait3A_21 : memref<1x632x64xf32, #tpu.memory_space<hbm>> -> memref<632x64xf32, #tpu.memory_space<hbm>>
      %dma_wait3A_23 = arith.constant 0 : i32
      %dma_wait3A_24 = tpu.memref_slice %arg13[%mul3A_14, %dma_wait3A_23] : memref<10112x64xf32, #tpu.memory_space<vmem_shared>> -> memref<632x64xf32, #tpu.memory_space<vmem_shared>>
      tpu.wait_dma2 semaphore(%run_scoped3A : memref<!tpu.dma_semaphore, #tpu.memory_space<semaphore_mem>>) src(%dma_wait3A_24 : memref<632x64xf32, #tpu.memory_space<vmem_shared>>) dst(%dma_wait3A_22 : memref<632x64xf32, #tpu.memory_space<hbm>>)
      tpu.yield
    }) : () -> ()
    return
  }
}

module attributes {stable_mosaic.version = 14 : i64} {
  func.func @body(%arg0: i32, %arg1: memref<400x128xf32, #tpu.memory_space<vmem>>, %arg2: memref<64x128xf32, #tpu.memory_space<vmem>>, %arg3: memref<400x64xf32, #tpu.memory_space<vmem>>) attributes {dimension_semantics = [#tpu.dimension_semantics<arbitrary>], iteration_bounds = array<i64: 25>, scalar_prefetch = 0 : i64, scratch_operands = 0 : i64, tpu.core_type = #tpu.core_type<tc>, window_params = [{transform_indices = @transform_0, window_bounds = array<i64: 400, 128>}, {pipeline_mode = #tpu.pipeline_mode<synchronous>, transform_indices = @transform_1, window_bounds = array<i64: 64, 128>}, {transform_indices = @transform_2, window_bounds = array<i64: 400, 64>}]} {
    %get3A = arith.constant 0 : index
    %get3A_0 = arith.constant 0 : index
    %get3A_1 = vector.load %arg1[%get3A, %get3A_0] : memref<400x128xf32, #tpu.memory_space<vmem>>, vector<400x128xf32>
    %get3A_2 = arith.constant 0 : index
    %get3A_3 = arith.constant 0 : index
    %get3A_4 = vector.load %arg2[%get3A_2, %get3A_3] : memref<64x128xf32, #tpu.memory_space<vmem>>, vector<64x128xf32>
    %dot_general3A = arith.constant dense<0.000000e+00> : vector<400x64xf32>
    %dot_general3A_5 = tpu.matmul %get3A_1, %get3A_4, %dot_general3A {dimension_numbers = #tpu.dot_dimension_numbers<[1], [1], [0], [0], [0, 0, 1, 0], [], []>, transpose_lhs_hint = false} : vector<400x128xf32>, vector<64x128xf32>, vector<400x64xf32> -> vector<400x64xf32>
    %swap3A = arith.constant 0 : index
    %swap3A_6 = arith.constant 0 : index
    %swap3A_7 = vector.load %arg3[%swap3A, %swap3A_6] : memref<400x64xf32, #tpu.memory_space<vmem>>, vector<400x64xf32>
    tpu.vector_store %arg3[%swap3A, %swap3A_6], %dot_general3A_5 {strides = array<i32>} : memref<400x64xf32, #tpu.memory_space<vmem>>, vector<400x64xf32>,
    return
  }
  func.func @transform_0(%arg0: i32) -> (i32, i32) {
    %c0_i32 = arith.constant 0 : i32
    %c0_i32_0 = arith.constant 0 : i32
    return %arg0, %c0_i32 : i32, i32
  }
  func.func @transform_1(%arg0: i32) -> (i32, i32) {
    %c0_i32 = arith.constant 0 : i32
    %c0_i32_0 = arith.constant 0 : i32
    %c0_i32_1 = arith.constant 0 : i32
    return %c0_i32, %c0_i32_0 : i32, i32
  }
  func.func @transform_2(%arg0: i32) -> (i32, i32) {
    %c0_i32 = arith.constant 0 : i32
    %c0_i32_0 = arith.constant 0 : i32
    return %arg0, %c0_i32 : i32, i32
  }
}

module attributes {stable_mosaic.version = 14 : i64} {
  func.func @body(%arg0: i32, %arg1: memref<400x64xf32, #tpu.memory_space<vmem>>, %arg2: memref<2x400x16xf32, #tpu.memory_space<vmem>>, %arg3: memref<400x64xf32, #tpu.memory_space<vmem>>, %arg4: memref<400x1xf32, #tpu.memory_space<vmem>>) attributes {dimension_semantics = [#tpu.dimension_semantics<arbitrary>], iteration_bounds = array<i64: 25>, scalar_prefetch = 0 : i64, scratch_operands = 0 : i64, tpu.core_type = #tpu.core_type<tc>, window_params = [{transform_indices = @transform_0, window_bounds = array<i64: 400, 64>}, {transform_indices = @transform_1, window_bounds = array<i64: 2, 400, 16>}, {transform_indices = @transform_2, window_bounds = array<i64: 400, 64>}, {transform_indices = @transform_3, window_bounds = array<i64: 400, 1>}]} {
    %get3A = arith.constant 0 : index
    %get3A_0 = arith.constant 0 : index
    %get3A_1 = arith.constant 0 : index
    %get3A_2 = vector.load %arg2[%get3A, %get3A_0, %get3A_1] : memref<2x400x16xf32, #tpu.memory_space<vmem>>, vector<1x400x1xf32>
    %get3A_3 = vector.shape_cast %get3A_2 : vector<1x400x1xf32> to vector<400x1xf32>
    %add3A = arith.constant 1.000000e+00 : f32
    %add3A_4 = vector.broadcast %add3A : f32 to vector<400x1xf32>
    %add3A_5 = arith.addf %add3A_4, %get3A_3 : vector<400x1xf32>
    %get3A_6 = arith.constant 1 : index
    %get3A_7 = arith.constant 0 : index
    %get3A_8 = arith.constant 0 : index
    %get3A_9 = vector.load %arg2[%get3A_6, %get3A_7, %get3A_8] : memref<2x400x16xf32, #tpu.memory_space<vmem>>, vector<1x400x1xf32>
    %get3A_10 = vector.shape_cast %get3A_9 : vector<1x400x1xf32> to vector<400x1xf32>
    %add3A_11 = arith.addf %add3A_5, %get3A_10 : vector<400x1xf32>
    %rsqrt3A = math.rsqrt %add3A_11 : vector<400x1xf32>
    %swap3A = arith.constant 0 : index
    %swap3A_12 = arith.constant 0 : index
    %swap3A_13 = vector.load %arg4[%swap3A, %swap3A_12] : memref<400x1xf32, #tpu.memory_space<vmem>>, vector<400x1xf32>
    tpu.vector_store %arg4[%swap3A, %swap3A_12], %rsqrt3A {strides = array<i32>} : memref<400x1xf32, #tpu.memory_space<vmem>>, vector<400x1xf32>,
    %get3A_14 = arith.constant 0 : index
    %get3A_15 = arith.constant 0 : index
    %get3A_16 = vector.load %arg1[%get3A_14, %get3A_15] : memref<400x64xf32, #tpu.memory_space<vmem>>, vector<400x64xf32>
    %mul3A = vector.broadcast %rsqrt3A : vector<400x1xf32> to vector<400x64xf32>
    %mul3A_17 = arith.mulf %get3A_16, %mul3A : vector<400x64xf32>
    %swap3A_18 = arith.constant 0 : index
    %swap3A_19 = arith.constant 0 : index
    %swap3A_20 = vector.load %arg3[%swap3A_18, %swap3A_19] : memref<400x64xf32, #tpu.memory_space<vmem>>, vector<400x64xf32>
    tpu.vector_store %arg3[%swap3A_18, %swap3A_19], %mul3A_17 {strides = array<i32>} : memref<400x64xf32, #tpu.memory_space<vmem>>, vector<400x64xf32>,
    return
  }
  func.func @transform_0(%arg0: i32) -> (i32, i32) {
    %c0_i32 = arith.constant 0 : i32
    %c0_i32_0 = arith.constant 0 : i32
    return %arg0, %c0_i32 : i32, i32
  }
  func.func @transform_1(%arg0: i32) -> (i32, i32, i32) {
    %c0_i32 = arith.constant 0 : i32
    %c0_i32_0 = arith.constant 0 : i32
    %c0_i32_1 = arith.constant 0 : i32
    return %c0_i32, %arg0, %c0_i32_0 : i32, i32, i32
  }
  func.func @transform_2(%arg0: i32) -> (i32, i32) {
    %c0_i32 = arith.constant 0 : i32
    %c0_i32_0 = arith.constant 0 : i32
    return %arg0, %c0_i32 : i32, i32
  }
  func.func @transform_3(%arg0: i32) -> (i32, i32) {
    %c0_i32 = arith.constant 0 : i32
    %c0_i32_0 = arith.constant 0 : i32
    return %arg0, %c0_i32 : i32, i32
  }
}

module attributes {stable_mosaic.version = 14 : i64} {
  func.func @body(%arg0: i32, %arg1: memref<2x400x64xf32, #tpu.memory_space<vmem>>, %arg2: memref<400x64xf32, #tpu.memory_space<vmem>>, %arg3: memref<400x1xf32, #tpu.memory_space<vmem>>, %arg4: memref<1x64xf32, #tpu.memory_space<vmem>>, %arg5: memref<400x64xf32, #tpu.memory_space<vmem>>) attributes {dimension_semantics = [#tpu.dimension_semantics<arbitrary>], iteration_bounds = array<i64: 25>, scalar_prefetch = 0 : i64, scratch_operands = 0 : i64, tpu.core_type = #tpu.core_type<tc>, window_params = [{transform_indices = @transform_0, window_bounds = array<i64: 2, 400, 64>}, {transform_indices = @transform_1, window_bounds = array<i64: 400, 64>}, {transform_indices = @transform_2, window_bounds = array<i64: 400, 1>}, {pipeline_mode = #tpu.pipeline_mode<synchronous>, transform_indices = @transform_3, window_bounds = array<i64: 1, 64>}, {transform_indices = @transform_4, window_bounds = array<i64: 400, 64>}]} {
    %get3A = arith.constant 0 : index
    %get3A_0 = arith.constant 0 : index
    %get3A_1 = vector.load %arg3[%get3A, %get3A_0] : memref<400x1xf32, #tpu.memory_space<vmem>>, vector<400x1xf32>
    %get3A_2 = arith.constant 0 : index
    %get3A_3 = arith.constant 0 : index
    %get3A_4 = arith.constant 0 : index
    %get3A_5 = vector.load %arg1[%get3A_2, %get3A_3, %get3A_4] : memref<2x400x64xf32, #tpu.memory_space<vmem>>, vector<1x400x64xf32>
    %get3A_6 = vector.shape_cast %get3A_5 : vector<1x400x64xf32> to vector<400x64xf32>
    %get3A_7 = arith.constant 1 : index
    %get3A_8 = arith.constant 0 : index
    %get3A_9 = arith.constant 0 : index
    %get3A_10 = vector.load %arg1[%get3A_7, %get3A_8, %get3A_9] : memref<2x400x64xf32, #tpu.memory_space<vmem>>, vector<1x400x64xf32>
    %get3A_11 = vector.shape_cast %get3A_10 : vector<1x400x64xf32> to vector<400x64xf32>
    %add3A = arith.addf %get3A_6, %get3A_11 : vector<400x64xf32>
    %get3A_12 = arith.constant 0 : index
    %get3A_13 = arith.constant 0 : index
    %get3A_14 = vector.load %arg2[%get3A_12, %get3A_13] : memref<400x64xf32, #tpu.memory_space<vmem>>, vector<400x64xf32>
    %add3A_15 = arith.addf %add3A, %get3A_14 : vector<400x64xf32>
    %mul3A = vector.broadcast %get3A_1 : vector<400x1xf32> to vector<400x64xf32>
    %mul3A_16 = arith.mulf %add3A_15, %mul3A : vector<400x64xf32>
    %get3A_17 = arith.constant 0 : index
    %get3A_18 = arith.constant 0 : index
    %get3A_19 = vector.load %arg4[%get3A_17, %get3A_18] : memref<1x64xf32, #tpu.memory_space<vmem>>, vector<1x64xf32>
    %add3A_20 = vector.broadcast %get3A_19 : vector<1x64xf32> to vector<400x64xf32>
    %add3A_21 = arith.addf %mul3A_16, %add3A_20 : vector<400x64xf32>
    %max3A = arith.constant 0.000000e+00 : f32
    %max3A_22 = vector.broadcast %max3A : f32 to vector<400x64xf32>
    %max3A_23 = arith.maximumf %add3A_21, %max3A_22 : vector<400x64xf32>
    %mul3A_24 = vector.broadcast %get3A_1 : vector<400x1xf32> to vector<400x64xf32>
    %mul3A_25 = arith.mulf %max3A_23, %mul3A_24 : vector<400x64xf32>
    %swap3A = arith.constant 0 : index
    %swap3A_26 = arith.constant 0 : index
    %swap3A_27 = vector.load %arg5[%swap3A, %swap3A_26] : memref<400x64xf32, #tpu.memory_space<vmem>>, vector<400x64xf32>
    tpu.vector_store %arg5[%swap3A, %swap3A_26], %mul3A_25 {strides = array<i32>} : memref<400x64xf32, #tpu.memory_space<vmem>>, vector<400x64xf32>,
    return
  }
  func.func @transform_0(%arg0: i32) -> (i32, i32, i32) {
    %c0_i32 = arith.constant 0 : i32
    %c0_i32_0 = arith.constant 0 : i32
    %c0_i32_1 = arith.constant 0 : i32
    return %c0_i32, %arg0, %c0_i32_0 : i32, i32, i32
  }
  func.func @transform_1(%arg0: i32) -> (i32, i32) {
    %c0_i32 = arith.constant 0 : i32
    %c0_i32_0 = arith.constant 0 : i32
    return %arg0, %c0_i32 : i32, i32
  }
  func.func @transform_2(%arg0: i32) -> (i32, i32) {
    %c0_i32 = arith.constant 0 : i32
    %c0_i32_0 = arith.constant 0 : i32
    return %arg0, %c0_i32 : i32, i32
  }
  func.func @transform_3(%arg0: i32) -> (i32, i32) {
    %c0_i32 = arith.constant 0 : i32
    %c0_i32_0 = arith.constant 0 : i32
    %c0_i32_1 = arith.constant 0 : i32
    return %c0_i32, %c0_i32_0 : i32, i32
  }
  func.func @transform_4(%arg0: i32) -> (i32, i32) {
    %c0_i32 = arith.constant 0 : i32
    %c0_i32_0 = arith.constant 0 : i32
    return %arg0, %c0_i32 : i32, i32
  }
}

module attributes {stable_mosaic.version = 14 : i64} {
  func.func @body(%arg0: i32, %arg1: memref<2x400x64xf32, #tpu.memory_space<vmem>>, %arg2: memref<400x64xf32, #tpu.memory_space<vmem>>, %arg3: memref<400x1xf32, #tpu.memory_space<vmem>>, %arg4: memref<128x64xf32, #tpu.memory_space<vmem>>, %arg5: memref<1x128xf32, #tpu.memory_space<vmem>>, %arg6: memref<400x128xf32, #tpu.memory_space<vmem>>) attributes {dimension_semantics = [#tpu.dimension_semantics<arbitrary>], iteration_bounds = array<i64: 25>, scalar_prefetch = 0 : i64, scratch_operands = 0 : i64, tpu.core_type = #tpu.core_type<tc>, window_params = [{transform_indices = @transform_0, window_bounds = array<i64: 2, 400, 64>}, {transform_indices = @transform_1, window_bounds = array<i64: 400, 64>}, {transform_indices = @transform_2, window_bounds = array<i64: 400, 1>}, {pipeline_mode = #tpu.pipeline_mode<synchronous>, transform_indices = @transform_3, window_bounds = array<i64: 128, 64>}, {pipeline_mode = #tpu.pipeline_mode<synchronous>, transform_indices = @transform_4, window_bounds = array<i64: 1, 128>}, {transform_indices = @transform_5, window_bounds = array<i64: 400, 128>}]} {
    %get3A = arith.constant 0 : index
    %get3A_0 = arith.constant 0 : index
    %get3A_1 = arith.constant 0 : index
    %get3A_2 = vector.load %arg1[%get3A, %get3A_0, %get3A_1] : memref<2x400x64xf32, #tpu.memory_space<vmem>>, vector<1x400x64xf32>
    %get3A_3 = vector.shape_cast %get3A_2 : vector<1x400x64xf32> to vector<400x64xf32>
    %get3A_4 = arith.constant 1 : index
    %get3A_5 = arith.constant 0 : index
    %get3A_6 = arith.constant 0 : index
    %get3A_7 = vector.load %arg1[%get3A_4, %get3A_5, %get3A_6] : memref<2x400x64xf32, #tpu.memory_space<vmem>>, vector<1x400x64xf32>
    %get3A_8 = vector.shape_cast %get3A_7 : vector<1x400x64xf32> to vector<400x64xf32>
    %add3A = arith.addf %get3A_3, %get3A_8 : vector<400x64xf32>
    %get3A_9 = arith.constant 0 : index
    %get3A_10 = arith.constant 0 : index
    %get3A_11 = vector.load %arg2[%get3A_9, %get3A_10] : memref<400x64xf32, #tpu.memory_space<vmem>>, vector<400x64xf32>
    %add3A_12 = arith.addf %add3A, %get3A_11 : vector<400x64xf32>
    %get3A_13 = arith.constant 0 : index
    %get3A_14 = arith.constant 0 : index
    %get3A_15 = vector.load %arg3[%get3A_13, %get3A_14] : memref<400x1xf32, #tpu.memory_space<vmem>>, vector<400x1xf32>
    %mul3A = vector.broadcast %get3A_15 : vector<400x1xf32> to vector<400x64xf32>
    %mul3A_16 = arith.mulf %add3A_12, %mul3A : vector<400x64xf32>
    %get3A_17 = arith.constant 0 : index
    %get3A_18 = arith.constant 0 : index
    %get3A_19 = vector.load %arg4[%get3A_17, %get3A_18] : memref<128x64xf32, #tpu.memory_space<vmem>>, vector<128x64xf32>
    %dot_general3A = arith.constant dense<0.000000e+00> : vector<400x128xf32>
    %dot_general3A_20 = tpu.matmul %mul3A_16, %get3A_19, %dot_general3A {dimension_numbers = #tpu.dot_dimension_numbers<[1], [1], [0], [0], [0, 0, 1, 0], [], []>, transpose_lhs_hint = false} : vector<400x64xf32>, vector<128x64xf32>, vector<400x128xf32> -> vector<400x128xf32>
    %get3A_21 = arith.constant 0 : index
    %get3A_22 = arith.constant 0 : index
    %get3A_23 = vector.load %arg5[%get3A_21, %get3A_22] : memref<1x128xf32, #tpu.memory_space<vmem>>, vector<1x128xf32>
    %add3A_24 = vector.broadcast %get3A_23 : vector<1x128xf32> to vector<400x128xf32>
    %add3A_25 = arith.addf %dot_general3A_20, %add3A_24 : vector<400x128xf32>
    %swap3A = arith.constant 0 : index
    %swap3A_26 = arith.constant 0 : index
    %swap3A_27 = vector.load %arg6[%swap3A, %swap3A_26] : memref<400x128xf32, #tpu.memory_space<vmem>>, vector<400x128xf32>
    tpu.vector_store %arg6[%swap3A, %swap3A_26], %add3A_25 {strides = array<i32>} : memref<400x128xf32, #tpu.memory_space<vmem>>, vector<400x128xf32>,
    return
  }
  func.func @transform_0(%arg0: i32) -> (i32, i32, i32) {
    %c0_i32 = arith.constant 0 : i32
    %c0_i32_0 = arith.constant 0 : i32
    %c0_i32_1 = arith.constant 0 : i32
    return %c0_i32, %arg0, %c0_i32_0 : i32, i32, i32
  }
  func.func @transform_1(%arg0: i32) -> (i32, i32) {
    %c0_i32 = arith.constant 0 : i32
    %c0_i32_0 = arith.constant 0 : i32
    return %arg0, %c0_i32 : i32, i32
  }
  func.func @transform_2(%arg0: i32) -> (i32, i32) {
    %c0_i32 = arith.constant 0 : i32
    %c0_i32_0 = arith.constant 0 : i32
    return %arg0, %c0_i32 : i32, i32
  }
  func.func @transform_3(%arg0: i32) -> (i32, i32) {
    %c0_i32 = arith.constant 0 : i32
    %c0_i32_0 = arith.constant 0 : i32
    %c0_i32_1 = arith.constant 0 : i32
    return %c0_i32, %c0_i32_0 : i32, i32
  }
  func.func @transform_4(%arg0: i32) -> (i32, i32) {
    %c0_i32 = arith.constant 0 : i32
    %c0_i32_0 = arith.constant 0 : i32
    %c0_i32_1 = arith.constant 0 : i32
    return %c0_i32, %c0_i32_0 : i32, i32
  }
  func.func @transform_5(%arg0: i32) -> (i32, i32) {
    %c0_i32 = arith.constant 0 : i32
    %c0_i32_0 = arith.constant 0 : i32
    return %arg0, %c0_i32 : i32, i32
  }
}

</mosaic_0001>

<sc_bundles>
// kernel: kernel.12.cloned.1.call-start
scs
__scs_entry_jumppad:
0x0: {  	(pc) =	sbr.rel $0x88, $3  }
0x1: {  	(tag) =	ssettag $0x0;
	lr =	simm.s32 $0x1  }
0x2: {  	[smem:$0x3F9B] =	sst lr;
	_ =	strace $0xD0000000  }
0x3: {  	_ = 	snop  }
0x4: {  	_ = 	snop  }
0x5: {  	_ = 	snop  }
0x6: {  	_ = 	snop  }
0x7: {  	_ = 	snop  }
__scs_overlays_trampoline_lowered:
0x8: {  	[smem:$0x3FAA] =	sst s0  }
0x9: {  	[smem:$0x3FAB] =	sst s1  }
0xa: {  	[smem:$0x3FAC] =	sst s2  }
0xb: {  	[smem:$0x3FAD] =	sst s3  }
0xc: {  	[smem:$0x3FAE] =	sst s4  }
0xd: {  	[smem:$0x3FAF] =	sst s5  }
0xe: {  	[smem:$0x3FB0] =	sst s6  }
0xf: {  	[smem:$0x3FB1] =	sst s7  }
0x10: {  	[smem:$0x3FB2] =	sst s8  }
0x11: {  	[smem:$0x3FB3] =	sst s9;
	s0 =	simm.s32 @!p0 $0x0  }
0x12: {  	s1 =	sld [smem:$0x3F99];
	s0 =	simm.s32 @p0 $0x1  }
0x13: {  	[smem:$0x3FB4] =	sst s0;
	s0 =	simm.s32 @!p1 $0x0  }
0x14: {  	s2 =	sld [smem:$0x3F98];
	s0 =	simm.s32 @p1 $0x1  }
0x15: {  	[smem:$0x3FB5] =	sst s0;
	s0 =	simm.s32 @!p2 $0x0  }
0x16: {  	s3 =	sld [smem:$0x3FDB];
	s0 =	simm.s32 @p2 $0x1  }
0x17: {  	s4 =	simm.s32 $0x1BF5;
	[smem:$0x3FB7] =	sst s0  }
0x18: {  	s0 =	sld [smem:$0x3F9A];
	_ =	swait.ge [sflag:s4], $0x0  }
0x19: {  	s7 =	sld [smem:$0x3F9B]  }
0x1a: {  	s8 =	sadd.s32 $0xFFFFE003, lr  }
0x1b: {  	s9 =	sadd.s32 $0xFFFFFEF7, lr;
	s5 =	simm.s32 $0xFFFFFFFF;
	p2 =	slt.u32 s8, $0xFFFFF086  }
0x1c: {  	p1 =	slt.u32 s9, $0xF7A;
	s5 =	simm.s32 @!p2 $0x0  }
0x1d: {  	s5 =	simm.s32 @p1 $0x1;
	p0 =	seq.s32 s7, s2  }
0x1e: {  	s7 =	smul.u32 @!p0 $0xF7A, s2;
	p2 =	seq.s32 @!p0 s5, $0x0  }
0x1f: {  	s9 =	smul.u32 $0xF7A, s1;
	s8 =	simm.s32 @!p0 $0x1BF5;
	p2 =	por !p2, p0  }
0x20: {  	[sflag:s8] =	ssyncset.s32 @!p0 $0xFFFFF086;
	s6 =	sadd.s32 @!p0 s3, s7;
	s7 =	simm.s32 @!p0 $0x108  }
0x21: {  	s3 =	sadd.s32 s3, s9;
	s6 =	sadd.s32 @!p0 $0x88, s6;
	s7 =	simm.s32 @p2 $0x1082  }
0x22: {  	[simem:s7], [sflag:s8] =	dma.local @!p0 [hbm:s6], $0xF7A  }
0x23: {  	s9 =	sor.u32 $0xD0000000, s2;
	s6 =	simm.s32 $0x108;
	_ =	swait.ge @!p0 [sflag:s8], $0x0  }
0x24: {  	s3 =	sadd.s32 $0x88, s3;
	s6 =	simm.s32 @!p1 $0x1082;
	[sflag:s4] =	ssyncset.s32 $0xFFFFF086  }
0x25: {  	[simem:s6], [sflag:s4] =	dma.local [hbm:s3], $0xF7A  }
0x26: {  	[smem:$0x3F9B] =	sst s1;
	(tag) =	ssettag s2;
	_ =	strace s9  }
0x27: {  	s1 =	sld [smem:$0x3FAB]  }
0x28: {  	s2 =	sld [smem:$0x3FAC]  }
0x29: {  	s4 =	sld [smem:$0x3FAE]  }
0x2a: {  	p0 =	seq.s32 s5, $0x0;
	s5 =	sld [smem:$0x3FAF]  }
0x2b: {  	s6 =	sld [smem:$0x3FB0]  }
0x2c: {  	s7 =	sld [smem:$0x3FB1]  }
0x2d: {  	s3 =	simm.s32 $0x108;
	s8 =	sld [smem:$0x3FB2]  }
0x2e: {  	s3 =	simm.s32 @!p0 $0x1082;
	s9 =	sld [smem:$0x3FB3]  }
0x2f: {  	lr =	sadd.s32 s0, s3;
	s0 =	sld [smem:$0x3FAA]  }
0x30: {  	s3 =	sld [smem:$0x3FAD]  }
0x31: {  	[smem:$0x3FB6] =	sst s10  }
0x32: {  	s10 =	sld [smem:$0x3FB4];
	_ =	sdelay $0x3  }
0x33: {  	p0 =	seq.s32 s10, $0x1;
	s10 =	sld [smem:$0x3FB6];
	_ =	sdelay $0x3  }
0x34: {  	[smem:$0x3FB6] =	sst s10  }
0x35: {  	s10 =	sld [smem:$0x3FB5];
	_ =	sdelay $0x3  }
0x36: {  	p1 =	seq.s32 s10, $0x1;
	s10 =	sld [smem:$0x3FB6];
	_ =	sdelay $0x3  }
0x37: {  	[smem:$0x3FB6] =	sst s10  }
0x38: {  	s10 =	sld [smem:$0x3FB7]  }
0x39: {  	_ = 	snop;
	(pc) =	sbr.ind lr, $3  }
0x3a: {  	_ = 	snop  }
0x3b: {  	_ = 	snop  }
0x3c: {  	p2 =	seq.s32 s10, $0x1;
	s10 =	sld [smem:$0x3FB6]  }
0x3d: {  	_ =	shalt  }
0x3e: {  	_ =	shalt  }
0x3f: {  	_ =	shalt  }
0x40: {  	_ =	shalt  }
0x41: {  	_ =	shalt  }
0x42: {  	_ =	shalt  }
0x43: {  	_ =	shalt  }
0x44: {  	_ =	shalt  }
0x45: {  	_ =	shalt  }
0x46: {  	_ =	shalt  }
0x47: {  	_ =	shalt  }
0x48: {  	_ =	shalt  }
0x49: {  	_ =	shalt  }
0x4a: {  	_ =	shalt  }
0x4b: {  	_ =	shalt  }
0x4c: {  	_ =	shalt  }
0x4d: {  	_ =	shalt  }
0x4e: {  	_ =	shalt  }
0x4f: {  	_ =	shalt  }
0x50: {  	_ =	shalt  }
0x51: {  	_ =	shalt  }
0x52: {  	_ =	shalt  }
0x53: {  	_ =	shalt  }
0x54: {  	_ =	shalt  }
0x55: {  	_ =	shalt  }
0x56: {  	_ =	shalt  }
0x57: {  	_ =	shalt  }
0x58: {  	_ =	shalt  }
0x59: {  	_ =	shalt  }
0x5a: {  	_ =	shalt  }
0x5b: {  	_ =	shalt  }
0x5c: {  	_ =	shalt  }
0x5d: {  	_ =	shalt  }
0x5e: {  	_ =	shalt  }
0x5f: {  	_ =	shalt  }
0x60: {  	_ =	shalt  }
0x61: {  	_ =	shalt  }
0x62: {  	_ =	shalt  }
0x63: {  	_ =	shalt  }
0x64: {  	_ =	shalt  }
0x65: {  	_ =	shalt  }
0x66: {  	_ =	shalt  }
0x67: {  	_ =	shalt  }
0x68: {  	_ =	shalt  }
0x69: {  	_ =	shalt  }
0x6a: {  	_ =	shalt  }
0x6b: {  	_ =	shalt  }
0x6c: {  	_ =	shalt  }
0x6d: {  	_ =	shalt  }
0x6e: {  	_ =	shalt  }
0x6f: {  	_ =	shalt  }
0x70: {  	_ =	shalt  }
0x71: {  	_ =	shalt  }
0x72: {  	_ =	shalt  }
0x73: {  	_ =	shalt  }
0x74: {  	_ =	shalt  }
0x75: {  	_ =	shalt  }
0x76: {  	_ =	shalt  }
0x77: {  	_ =	shalt  }
0x78: {  	_ =	shalt  }
0x79: {  	_ =	shalt  }
0x7a: {  	_ =	shalt  }
0x7b: {  	_ =	shalt  }
0x7c: {  	_ =	shalt  }
0x7d: {  	_ =	shalt  }
0x7e: {  	_ =	shalt  }
0x7f: {  	_ =	shalt  }
0x80: {  	_ =	shalt  }
0x81: {  	_ =	shalt  }
0x82: {  	_ =	shalt  }
0x83: {  	_ =	shalt  }
0x84: {  	_ =	shalt  }
0x85: {  	_ =	shalt  }
0x86: {  	_ =	shalt  }
0x87: {  	_ =	shalt  }
.Lfunc_end0:
.L_simem_size_0:
called_computation.1_lowered:
.L_overlay_start_0:
0x88: {  	s2 =	sld [smem:$0x3FD9]  }
0x89: {  	s3 =	sld [smem:$0x3FFE];
	_ =	sdelay $0x1  }
0x8a: {  	s1 =	srdreg.scid  }
0x8b: {  	s0 =	sand.u32 $0x1, s1  }
0x8c: {  	s17 =	sshll.u32 s0, $0xA;
	s2 =	sadd.s32 s3, s2  }
0x8d: {  	s2 =	sadd.s32 s2, s17  }
0x8e: {  	[smem:$0x3FC2] =	sst s2  }
0x8f: {  	_ = 	snop  }
0x90: {  	s2 =	sld [smem:$0x3FD0];
	(tm) =	ssettm $0x1  }
0x91: {  	s18 =	sld [smem:$0x3FFB];
	_ =	sdelay $0x3  }
0x92: {  	_ =	strace s18  }
0x93: {  	s3 =	sld [smem:$0x3FFC];
	_ =	sdelay $0x3  }
0x94: {  	_ =	strace s3  }
0x95: {  	s3 =	sld [smem:$0x3FFD];
	_ =	sdelay $0x3  }
0x96: {  	_ =	strace s3  }
0x97: {  	_ =	strace $0x8FFFFFFF  }
0x98: {  	s19 =	sld [smem:$0x3FDB];
	_ =	sdelay $0x1  }
0x99: {  	s4 =	simm.s32 $_scs_section_size  }
0x9a: {  	s5 =	simm.s32 $_size__tile_overlayer_lowered;
	s6 =	simm.s32 $_tile_overlayer_lowered  }
0x9b: {  	s22 =	simm.s32 $0x1BFF;
	s21 =	sshll.u32 s6, $0x1;
	s3 =	sadd.s32 s4, s19  }
0x9c: {  	s7 =	simm.s32 $0x0;
	s20 =	sshll.u32 s5, $0x1;
	s5 =	sadd.s32 s21, s3  }
0x9d: {  	[timem:s7], [sflag:s22] =	dma.local [hbm:s5], s20  }
0x9e: {  	_ =	swait.ge [sflag:s22], s20  }
0x9f: {  	s4 =	ssub.s32 $0x0, s20;
	[sflag:s22] =	ssyncset.done $0x0  }
0xa0: {  	[sflag:s22] =	ssyncadd.s32 s4;
	_ =	sdelay $0x1  }
0xa1: {  	s23 =	simm.s32 $0x1B8B  }
0xa2: {  	_ =	swait.ge [sflag:s23], $0x1  }
0xa3: {  	[sflag:s23] =	ssyncset.done $0x0  }
0xa4: {  	s25 =	simm.s32 $0x1B8E;
	s24 =	sld [smem:$0x3FFE];
	[sflag:s23] =	ssyncadd.s32 $0xFFFFFFFF  }
0xa5: {  	s26 =	simm.s32 $execute0_lowered;
	[smem:$0x3FD2] =	sst s25  }
0xa6: {  	s5 =	sshll.u32 s26, $0x1;
	_ =	strace $0x80000049;
	[dreg:$0x1] =	wrdreg $0xFFFFFFFF  }
0xa7: {  	s28 =	simm.s32 $_size_execute0_lowered;
	s3 =	sadd.s32 s3, s5;
	[dreg:$0x0] =	wrdreg $0x0  }
0xa8: {  	s5 =	sshll.u32 s28, $0x1;
	[dreg:$0x2] =	wrdreg s3  }
0xa9: {  	[dreg:$0x3] =	wrdreg s5  }
0xaa: {  	[dreg:$0x4] =	wrdreg $0xC0  }
0xab: {  	_ =	task [dreg:s7], $0x5FFFF  }
0xac: {  	[dreg:$0x1] =	wrdreg $0xFFFFFFFF  }
0xad: {  	[dreg:$0x0] =	wrdreg $0x60  }
0xae: {  	[dreg:$0x2] =	wrdreg s2  }
0xaf: {  	[dreg:$0x3] =	wrdreg s24  }
0xb0: {  	[dreg:$0x4] =	wrdreg $0x15E800  }
0xb1: {  	[dreg:$0x5] =	wrdreg $0xC0800  }
0xb2: {  	[dreg:$0x6] =	wrdreg $0x9  }
0xb3: {  	_ =	task.clear_ibuf [dreg:s7], $0x7FFFF;
	_ =	strace $0x90000049  }
0xb4: {  	s29 =	simm.s32 $0x9;
	_ =	strace $0x8000004B  }
0xb5: {  	_ =	swait.ge [sflag:s29], $0x1  }
0xb6: {  	[sflag:s29] =	ssyncadd.s32 $0xFFFFFFFF  }
0xb7: {  	_ =	strace $0x9000004B  }
0xb8: {  	_ =	sfence  }
0xb9: {  	s30 =	sld [smem:$0x0];
	_ =	sdelay $0x2  }
0xba: {  	s31 =	sshll.u32 s1, $0xD;
	s1 =	sshrl.u32 s1, $0x2  }
0xbb: {  	s3 =	sand.u32 $0x4000, s31;
	s1 =	sadd.s32 s1, s30  }
0xbc: {  	s0 =	sor.u32 s3, s0;
	s1 =	sshll.u32 s1, $0x11  }
0xbd: {  	s0 =	sor.u32 s1, s0  }
0xbe: {  	s0 =	sadd.s32 $0x8F2B, s0  }
0xbf: {  	[sflag:s0] =	ssyncadd.remote.s32 $0x1  }
0xc0: {  	_ =	sfence.sel $0xFFFF  }
0xc1: {  	[dreg:$0x0] =	wrdreg $0xFFFFFFFF;
	(pc) =	sbr.abs _section_cstart, $3  }
0xc2: {  	[dreg:$0x1] =	wrdreg $0xFFFFFFFF  }
0xc3: {  	_ =	task.clear_ibuf [dreg:s7], $0x2FFFF;
	_ =	strace $0x9FFFFFFF  }
0xc4: {  	(tm) =	ssettm $0x7FFFFFFF  }
0xc5: {  	_ =	shalt  }
tec
execute0_lowered:
.L_overlay_start_1:
0x0: {  	(tag) =	ssettag $0x1  }
0x1: {  	s0 =	rddreg [dreg:$0x0]  }
0x2: {  	s1 =	rddreg [dreg:$0x1]  }
0x3: {  	s3 =	srdreg.scid;
	s2 =	rddreg [dreg:$0x2]  }
0x4: {  	s12 =	stileid.u32;
	s4 =	simm.s32 $0x0;
	s16 =	simm.s32 $0x70  }
0x5: {  	s17 =	simm.s32 $0x5080;
	s18 =	simm.s32 $0x6C80;
	s19 =	simm.s32 $0x8880  }
0x6: {  	s20 =	simm.s32 $0xA480;
	s21 =	simm.s32 $0x1;
	s22 =	simm.s32 $0x2  }
0x7: {  	s23 =	simm.s32 $0x3;
	s24 =	simm.s32 $0x4;
	s28 =	simm.s32 $0x7  }
0x8: {  	s29 =	simm.s32 $0x8;
	s30 =	simm.s32 $0x0;
	s7 =	smul.u32 $0x2840, s12  }
0x9: {  	s5 =	sand.u32 $0x1, s3;
	s3 =	rddreg [dreg:$0x3];
	s8 =	smul.u32 $0x9E00, s12  }
0xa: {  	[smem:$0x7FF] =	sst s4;
	s31 =	sshll.u32 s12, $0x6;
	s6 =	smul.u32 $0x28400, s5  }
0xb: {  	s25 =	smul.u32 $0x9E000, s5;
	_ =	strace $0x8000004A;
	s5 =	ssub.s32 $0x2, s5  }
0xc: {  	s13 =	sor.u32 $0x1C09, s31;
	s9 =	sshrl.u32 s8, $0x3;
	s11 =	sshrl.u32 s5, $0x1  }
0xd: {  	s14 =	sadd.s32 s8, s2;
	s26 =	sadd.s32 s8, s3;
	s6 =	sadd.s32 s7, s6  }
0xe: {  	s7 =	sadd.s32 s8, s25;
	s10 =	sadd.s32 s9, s1;
	s11 =	ssub.s32 s5, s11  }
0xf: {  	s14 =	sshrl.u32 s14, $0x3;
	s15 =	sshrl.u32 s26, $0x3;
	s25 =	simm.s32 $0x5  }
0x10: {  	s26 =	simm.s32 $0x6;
	s6 =	sshrl.u32 s6, $0x3;
	s7 =	sshrl.u32 s7, $0x3  }
0x11: {  	s8 =	sadd.s32 $0x1AC00, s10;
	s10 =	smax.u32 s11, $0x1;
	s11 =	simm.s32 $0x9  }
0x12: {  	s6 =	sadd.s32 s6, s1;
	s1 =	sadd.s32 s7, s1;
	s7 =	sadd.s32 s0, s9  }
0x13: {  	s5 =	sadd.s32 $0x10A00, s6;
	s6 =	sadd.s32 $0x1600, s6;
	s9 =	sadd.s32 $0x2E800, s1  }
.LBB2_1:
0x14: {  	[tilespmem:s4], [sflag:$0x9] =	stream.linear.gather [hbm4b:s5+s4], $0x2840, $0x38;
	[tilespmem:$0x1FC80] =	vst v63  }
0x15: {  	_ =	swait.ge [sflag:s11], $0x2840  }
0x16: {  	[sflag:s11] =	ssyncset.done $0x0  }
0x17: {  	s0 =	simm.s32 $0x2840;
	[sflag:s11] =	ssyncadd.s32 $0xFFFFD7C0  }
0x18: {  	[tilespmem:s0], [sflag:$0x9] =	stream.linear.gather [hbm4b:s6+s4], $0x2840, $0x38;
	[tilespmem:$0x1FC80] =	vst v63  }
0x19: {  	_ =	swait.ge [sflag:s11], $0x2840  }
0x1a: {  	[sflag:s11] =	ssyncset.done $0x0  }
0x1b: {  	[sflag:s11] =	ssyncadd.s32 $0xFFFFD7C0  }
0x1c: {  	[spmem:s14], [sflag:s13] =	dma.local [hbm:s7], $0x13C0  }
0x1d: {  	_ =	swait.ge [sflag:s11], $0x13C0  }
0x1e: {  	[sflag:s11] =	ssyncset.done $0x0  }
0x1f: {  	[sflag:s11] =	ssyncadd.s32 $0xFFFFEC40  }
0x20: {  	[spmem:s15], [sflag:s13] =	dma.local [hbm:s8], $0x13C0  }
0x21: {  	_ =	swait.ge [sflag:s11], $0x13C0  }
0x22: {  	[sflag:s11] =	ssyncset.done $0x0  }
0x23: {  	[sflag:s11] =	ssyncadd.s32 $0xFFFFEC40  }
0x24: {  	s1 =	simm.s32 $0x0;
	[bflag:$0x0] =	sbarrier.arrive $0xFFFF  }
0x25: {  	[tilespmem:s17], [sflag:$0x1] =	stream.indirect.gather [spmem:s2], $0x40, s1, s16, $0xb8;
	[tilespmem:$0x1FC80] =	vst v63  }
0x26: {  	s12 =	simm.s32 $0x70  }
0x27: {  	[tilespmem:s18], [sflag:$0x2] =	stream.indirect.gather [spmem:s2], $0x40, s12, s16, $0xb8;
	[tilespmem:$0x1FC80] =	vst v63  }
0x28: {  	s1 =	simm.s32 $0xE0  }
0x29: {  	[tilespmem:s19], [sflag:$0x3] =	stream.indirect.gather [spmem:s2], $0x40, s1, s16, $0xb8;
	[tilespmem:$0x1FC80] =	vst v63  }
0x2a: {  	s12 =	simm.s32 $0x150  }
0x2b: {  	[tilespmem:s20], [sflag:$0x4] =	stream.indirect.gather [spmem:s2], $0x40, s12, s16, $0xb8;
	[tilespmem:$0x1FC80] =	vst v63  }
0x2c: {  	_ =	swait.ge [sflag:s21], $0x1C00  }
0x2d: {  	[sflag:s21] =	ssyncset.done $0x0  }
0x2e: {  	s1 =	simm.s32 $0x2840;
	[sflag:s21] =	ssyncadd.s32 $0xFFFFE400  }
0x2f: {  	[spmem:s3] =	stream.indirect.scatter.add.f32 [tilespmem:s17], [sflag:$0x5], $0x40, s1, s16, $0xb8;
	[tilespmem:$0x1FC80] =	vst v63  }
0x30: {  	_ =	swait.ge [sflag:s22], $0x1C00  }
0x31: {  	[sflag:s22] =	ssyncset.done $0x0  }
0x32: {  	s12 =	simm.s32 $0x28B0;
	[sflag:s22] =	ssyncadd.s32 $0xFFFFE400  }
0x33: {  	[spmem:s3] =	stream.indirect.scatter.add.f32 [tilespmem:s18], [sflag:$0x6], $0x40, s12, s16, $0xb8;
	[tilespmem:$0x1FC80] =	vst v63  }
0x34: {  	_ =	swait.ge [sflag:s23], $0x1C00  }
0x35: {  	[sflag:s23] =	ssyncset.done $0x0  }
0x36: {  	s1 =	simm.s32 $0x2920;
	[sflag:s23] =	ssyncadd.s32 $0xFFFFE400  }
0x37: {  	[spmem:s3] =	stream.indirect.scatter.add.f32 [tilespmem:s19], [sflag:$0x7], $0x40, s1, s16, $0xb8;
	[tilespmem:$0x1FC80] =	vst v63  }
0x38: {  	_ =	swait.ge [sflag:s24], $0x1C00  }
0x39: {  	[sflag:s24] =	ssyncset.done $0x0  }
0x3a: {  	s12 =	simm.s32 $0x2990;
	[sflag:s24] =	ssyncadd.s32 $0xFFFFE400  }
0x3b: {  	[spmem:s3] =	stream.indirect.scatter.add.f32 [tilespmem:s20], [sflag:$0x8], $0x40, s12, s16, $0xb8;
	[tilespmem:$0x1FC80] =	vst v63  }
0x3c: {  	_ =	swait.ge [sflag:s25], $0x1C00  }
0x3d: {  	[sflag:s25] =	ssyncset.done $0x0  }
0x3e: {  	[sflag:s25] =	ssyncadd.s32 $0xFFFFE400  }
0x3f: {  	_ =	swait.ge [sflag:s26], $0x1C00  }
0x40: {  	[sflag:s26] =	ssyncset.done $0x0  }
0x41: {  	[sflag:s26] =	ssyncadd.s32 $0xFFFFE400  }
0x42: {  	_ =	swait.ge [sflag:s28], $0x1C00  }
0x43: {  	[sflag:s28] =	ssyncset.done $0x0  }
0x44: {  	[sflag:s28] =	ssyncadd.s32 $0xFFFFE400  }
0x45: {  	_ =	swait.ge [sflag:s29], $0x1C00  }
0x46: {  	s31 =	simm.s32 $0x700;
	s1 =	simm.s32 $0xE00;
	[sflag:s29] =	ssyncset.done $0x0  }
.LBB2_2:
0x47: {  	s12 =	sshra.s32 s31, $0x2  }
0x48: {  	[sflag:s29] =	ssyncadd.s32 $0xFFFFE400;
	s31 =	smov.u32 s1;
	s0 =	sadd.s32 $0x700, s1  }
0x49: {  	[tilespmem:s17], [sflag:$0x1] =	stream.indirect.gather [spmem:s2], $0x40, s12, s16, $0xb8;
	[tilespmem:$0x1FC80] =	vst v63  }
0x4a: {  	p0 =	sne.s32 s1, $0x9A00;
	s1 =	sadd.s32 $0x70, s12  }
0x4b: {  	[tilespmem:s18], [sflag:$0x2] =	stream.indirect.gather [spmem:s2], $0x40, s1, s16, $0xb8;
	[tilespmem:$0x1FC80] =	vst v63  }
0x4c: {  	s1 =	sadd.s32 $0xE0, s12  }
0x4d: {  	[tilespmem:s19], [sflag:$0x3] =	stream.indirect.gather [spmem:s2], $0x40, s1, s16, $0xb8;
	[tilespmem:$0x1FC80] =	vst v63  }
0x4e: {  	s1 =	sadd.s32 $0x150, s12  }
0x4f: {  	[tilespmem:s20], [sflag:$0x4] =	stream.indirect.gather [spmem:s2], $0x40, s1, s16, $0xb8;
	[tilespmem:$0x1FC80] =	vst v63  }
0x50: {  	_ =	swait.ge [sflag:s21], $0x1C00  }
0x51: {  	[sflag:s21] =	ssyncset.done $0x0  }
0x52: {  	s1 =	sadd.s32 $0x2840, s12;
	[sflag:s21] =	ssyncadd.s32 $0xFFFFE400  }
0x53: {  	[spmem:s3] =	stream.indirect.scatter.add.f32 [tilespmem:s17], [sflag:$0x5], $0x40, s1, s16, $0xb8;
	[tilespmem:$0x1FC80] =	vst v63  }
0x54: {  	_ =	swait.ge [sflag:s22], $0x1C00  }
0x55: {  	[sflag:s22] =	ssyncset.done $0x0  }
0x56: {  	s1 =	sadd.s32 $0x28B0, s12;
	[sflag:s22] =	ssyncadd.s32 $0xFFFFE400  }
0x57: {  	[spmem:s3] =	stream.indirect.scatter.add.f32 [tilespmem:s18], [sflag:$0x6], $0x40, s1, s16, $0xb8;
	[tilespmem:$0x1FC80] =	vst v63  }
0x58: {  	_ =	swait.ge [sflag:s23], $0x1C00  }
0x59: {  	[sflag:s23] =	ssyncset.done $0x0  }
0x5a: {  	s1 =	sadd.s32 $0x2920, s12;
	[sflag:s23] =	ssyncadd.s32 $0xFFFFE400  }
0x5b: {  	[spmem:s3] =	stream.indirect.scatter.add.f32 [tilespmem:s19], [sflag:$0x7], $0x40, s1, s16, $0xb8;
	[tilespmem:$0x1FC80] =	vst v63  }
0x5c: {  	_ =	swait.ge [sflag:s24], $0x1C00  }
0x5d: {  	[sflag:s24] =	ssyncset.done $0x0  }
0x5e: {  	s1 =	sadd.s32 $0x2990, s12;
	[sflag:s24] =	ssyncadd.s32 $0xFFFFE400  }
0x5f: {  	[spmem:s3] =	stream.indirect.scatter.add.f32 [tilespmem:s20], [sflag:$0x8], $0x40, s1, s16, $0xb8;
	[tilespmem:$0x1FC80] =	vst v63  }
0x60: {  	_ =	swait.ge [sflag:s25], $0x1C00  }
0x61: {  	[sflag:s25] =	ssyncset.done $0x0  }
0x62: {  	[sflag:s25] =	ssyncadd.s32 $0xFFFFE400  }
0x63: {  	_ =	swait.ge [sflag:s26], $0x1C00  }
0x64: {  	[sflag:s26] =	ssyncset.done $0x0  }
0x65: {  	[sflag:s26] =	ssyncadd.s32 $0xFFFFE400  }
.Ltmp0:
0x66: {  	_ =	swait.ge [sflag:s28], $0x1C00;
	(pc) =	sbr.rel @p0 .LBB2_2-.Ltmp0, $4  }
0x67: {  	[sflag:s28] =	ssyncset.done $0x0  }
0x68: {  	[sflag:s28] =	ssyncadd.s32 $0xFFFFE400  }
0x69: {  	_ =	swait.ge [sflag:s29], $0x1C00  }
0x6a: {  	s1 =	smov.u32 s0;
	[sflag:s29] =	ssyncset.done $0x0  }
0x6b: {  	s0 =	sshra.s32 s31, $0x2;
	[sflag:s29] =	ssyncadd.s32 $0xFFFFE400  }
0x6c: {  	[tilespmem:s17], [sflag:$0x1] =	stream.indirect.gather [spmem:s2], $0x40, s0, s16, $0xb8;
	[tilespmem:$0x1FC80] =	vst v63  }
0x6d: {  	s1 =	sadd.s32 $0x70, s0  }
0x6e: {  	[tilespmem:s18], [sflag:$0x2] =	stream.indirect.gather [spmem:s2], $0x40, s1, s16, $0xb8;
	[tilespmem:$0x1FC80] =	vst v63  }
0x6f: {  	s31 =	sadd.s32 $0xE0, s0  }
0x70: {  	[tilespmem:s19], [sflag:$0x3] =	stream.indirect.gather [spmem:s2], $0x40, s31, s16, $0xb8;
	[tilespmem:$0x1FC80] =	vst v63  }
0x71: {  	s12 =	sadd.s32 $0x150, s0  }
0x72: {  	[tilespmem:s20], [sflag:$0x4] =	stream.indirect.gather [spmem:s2], $0x40, s12, s16, $0xb8;
	[tilespmem:$0x1FC80] =	vst v63  }
0x73: {  	_ =	swait.ge [sflag:s21], $0x1C00  }
0x74: {  	[sflag:s21] =	ssyncset.done $0x0  }
0x75: {  	s31 =	sadd.s32 $0x2840, s0;
	[sflag:s21] =	ssyncadd.s32 $0xFFFFE400  }
0x76: {  	[spmem:s3] =	stream.indirect.scatter.add.f32 [tilespmem:s17], [sflag:$0x5], $0x40, s31, s16, $0xb8;
	[tilespmem:$0x1FC80] =	vst v63  }
0x77: {  	_ =	swait.ge [sflag:s22], $0x1C00  }
0x78: {  	[sflag:s22] =	ssyncset.done $0x0  }
0x79: {  	s12 =	sadd.s32 $0x28B0, s0;
	[sflag:s22] =	ssyncadd.s32 $0xFFFFE400  }
0x7a: {  	[spmem:s3] =	stream.indirect.scatter.add.f32 [tilespmem:s18], [sflag:$0x6], $0x40, s12, s16, $0xb8;
	[tilespmem:$0x1FC80] =	vst v63  }
0x7b: {  	_ =	swait.ge [sflag:s23], $0x1C00  }
0x7c: {  	[sflag:s23] =	ssyncset.done $0x0  }
0x7d: {  	s31 =	sadd.s32 $0x2920, s0;
	[sflag:s23] =	ssyncadd.s32 $0xFFFFE400  }
0x7e: {  	[spmem:s3] =	stream.indirect.scatter.add.f32 [tilespmem:s19], [sflag:$0x7], $0x40, s31, s16, $0xb8;
	[tilespmem:$0x1FC80] =	vst v63  }
0x7f: {  	_ =	swait.ge [sflag:s24], $0x1C00  }
0x80: {  	[sflag:s24] =	ssyncset.done $0x0  }
0x81: {  	s0 =	sadd.s32 $0x2990, s0;
	[sflag:s24] =	ssyncadd.s32 $0xFFFFE400  }
0x82: {  	[spmem:s3] =	stream.indirect.scatter.add.f32 [tilespmem:s20], [sflag:$0x8], $0x40, s0, s16, $0xb8;
	[tilespmem:$0x1FC80] =	vst v63  }
0x83: {  	_ =	swait.ge [sflag:s25], $0x1C00  }
0x84: {  	[sflag:s25] =	ssyncset.done $0x0  }
0x85: {  	[sflag:s25] =	ssyncadd.s32 $0xFFFFE400  }
0x86: {  	_ =	swait.ge [sflag:s26], $0x1C00  }
0x87: {  	[sflag:s26] =	ssyncset.done $0x0  }
0x88: {  	[sflag:s26] =	ssyncadd.s32 $0xFFFFE400  }
0x89: {  	_ =	swait.ge [sflag:s28], $0x1C00  }
0x8a: {  	[sflag:s28] =	ssyncset.done $0x0  }
0x8b: {  	[sflag:s28] =	ssyncadd.s32 $0xFFFFE400  }
0x8c: {  	_ =	swait.ge [sflag:s29], $0x1C00  }
0x8d: {  	s30 =	sadd.s32 $0x1, s30;
	[sflag:s29] =	ssyncset.done $0x0  }
0x8e: {  	p0 =	sne.s32 s30, s10;
	[sflag:s29] =	ssyncadd.s32 $0xFFFFE400  }
.Ltmp1:
0x8f: {  	[bflag:$0x0] =	sbarrier.arrive $0xFFFF;
	(pc) =	sbr.rel @p0 .LBB2_1-.Ltmp1, $4  }
0x90: {  	[hbm:s9], [sflag:s13] =	dma.local [spmem:s15], $0x13C0  }
0x91: {  	_ =	swait.ge [sflag:s11], $0x13C0  }
0x92: {  	[sflag:s11] =	ssyncset.done $0x0  }
0x93: {  	[sflag:s11] =	ssyncadd.s32 $0xFFFFEC40  }
0x94: {  	_ =	sfence.sel $0x180000  }
0x95: {  	[bflag:$0x0] =	sbarrier.arrive $0xFFFF  }
0x96: {  	_ =	strace $0x9000004A  }
0x97: {  	s0 =	stileid.u32;
	[bflag:$0x2] =	sbarrier.arrive $0xFFFF  }
0x98: {  	p0 =	sne.s32 s0, $0x0;
	s0 =	rddreg [dreg:$0x4]  }
0x99: {  	s0 =	sadd.s32 @!p0 $0x100000, s0  }
0x9a: {  	[sflag:s0] =	ssyncadd.tile.s32 @!p0 $0x1;
	_ =	shalt  }
.Lfunc_end2:
_tile_overlayer_lowered:
.L_overlay_start_2:
0x9b: {  	(tag) =	ssettag $0x2  }
0x9c: {  	s0 =	rddreg [dreg:$0x0];
	s2 =	stileid.u32  }
0x9d: {  	s1 =	rddreg [dreg:$0x1];
	p0 =	sne.s32 s2, $0x0  }
0x9e: {  	s3 =	rddreg [dreg:$0x2];
	[bflag:$0x3] =	sbarrier.arrive $0xFFFF;
	s2 =	simm.s32 @!p0 $0x1C09  }
0x9f: {  	[timem:s3], [sflag:s2] =	dma.local @!p0 [hbm:s0], s1  }
0xa0: {  	s0 =	simm.s32 @!p0 $0x9  }
0xa1: {  	_ =	swait.ge @!p0 [sflag:s0], s1  }
0xa2: {  	s1 =	ssub.s32 @!p0 $0x0, s1;
	[sflag:s0] =	ssyncset.done @!p0 $0x0  }
0xa3: {  	[sflag:s0] =	ssyncadd.s32 @!p0 s1  }
0xa4: {  	[bflag:$0x3] =	sbarrier.arrive $0xFFFF  }
0xa5: {  	_ =	shalt  }

// kernel: kernel.15.cloned.1.call-start
scs
__scs_entry_jumppad:
0x0: {  	(pc) =	sbr.rel $0x88, $3  }
0x1: {  	(tag) =	ssettag $0x0;
	lr =	simm.s32 $0x1  }
0x2: {  	[smem:$0x3F9B] =	sst lr;
	_ =	strace $0xD0000000  }
0x3: {  	_ = 	snop  }
0x4: {  	_ = 	snop  }
0x5: {  	_ = 	snop  }
0x6: {  	_ = 	snop  }
0x7: {  	_ = 	snop  }
__scs_overlays_trampoline_lowered:
0x8: {  	[smem:$0x3FAA] =	sst s0  }
0x9: {  	[smem:$0x3FAB] =	sst s1  }
0xa: {  	[smem:$0x3FAC] =	sst s2  }
0xb: {  	[smem:$0x3FAD] =	sst s3  }
0xc: {  	[smem:$0x3FAE] =	sst s4  }
0xd: {  	[smem:$0x3FAF] =	sst s5  }
0xe: {  	[smem:$0x3FB0] =	sst s6  }
0xf: {  	[smem:$0x3FB1] =	sst s7  }
0x10: {  	[smem:$0x3FB2] =	sst s8  }
0x11: {  	[smem:$0x3FB3] =	sst s9;
	s0 =	simm.s32 @!p0 $0x0  }
0x12: {  	s1 =	sld [smem:$0x3F99];
	s0 =	simm.s32 @p0 $0x1  }
0x13: {  	[smem:$0x3FB4] =	sst s0;
	s0 =	simm.s32 @!p1 $0x0  }
0x14: {  	s2 =	sld [smem:$0x3F98];
	s0 =	simm.s32 @p1 $0x1  }
0x15: {  	[smem:$0x3FB5] =	sst s0;
	s0 =	simm.s32 @!p2 $0x0  }
0x16: {  	s3 =	sld [smem:$0x3FDB];
	s0 =	simm.s32 @p2 $0x1  }
0x17: {  	s4 =	simm.s32 $0x1BF5;
	[smem:$0x3FB7] =	sst s0  }
0x18: {  	s0 =	sld [smem:$0x3F9A];
	_ =	swait.ge [sflag:s4], $0x0  }
0x19: {  	s7 =	sld [smem:$0x3F9B]  }
0x1a: {  	s8 =	sadd.s32 $0xFFFFE003, lr  }
0x1b: {  	s9 =	sadd.s32 $0xFFFFFEF7, lr;
	s5 =	simm.s32 $0xFFFFFFFF;
	p2 =	slt.u32 s8, $0xFFFFF086  }
0x1c: {  	p1 =	slt.u32 s9, $0xF7A;
	s5 =	simm.s32 @!p2 $0x0  }
0x1d: {  	s5 =	simm.s32 @p1 $0x1;
	p0 =	seq.s32 s7, s2  }
0x1e: {  	s7 =	smul.u32 @!p0 $0xF7A, s2;
	p2 =	seq.s32 @!p0 s5, $0x0  }
0x1f: {  	s9 =	smul.u32 $0xF7A, s1;
	s8 =	simm.s32 @!p0 $0x1BF5;
	p2 =	por !p2, p0  }
0x20: {  	[sflag:s8] =	ssyncset.s32 @!p0 $0xFFFFF086;
	s6 =	sadd.s32 @!p0 s3, s7;
	s7 =	simm.s32 @!p0 $0x108  }
0x21: {  	s3 =	sadd.s32 s3, s9;
	s6 =	sadd.s32 @!p0 $0x88, s6;
	s7 =	simm.s32 @p2 $0x1082  }
0x22: {  	[simem:s7], [sflag:s8] =	dma.local @!p0 [hbm:s6], $0xF7A  }
0x23: {  	s9 =	sor.u32 $0xD0000000, s2;
	s6 =	simm.s32 $0x108;
	_ =	swait.ge @!p0 [sflag:s8], $0x0  }
0x24: {  	s3 =	sadd.s32 $0x88, s3;
	s6 =	simm.s32 @!p1 $0x1082;
	[sflag:s4] =	ssyncset.s32 $0xFFFFF086  }
0x25: {  	[simem:s6], [sflag:s4] =	dma.local [hbm:s3], $0xF7A  }
0x26: {  	[smem:$0x3F9B] =	sst s1;
	(tag) =	ssettag s2;
	_ =	strace s9  }
0x27: {  	s1 =	sld [smem:$0x3FAB]  }
0x28: {  	s2 =	sld [smem:$0x3FAC]  }
0x29: {  	s4 =	sld [smem:$0x3FAE]  }
0x2a: {  	p0 =	seq.s32 s5, $0x0;
	s5 =	sld [smem:$0x3FAF]  }
0x2b: {  	s6 =	sld [smem:$0x3FB0]  }
0x2c: {  	s7 =	sld [smem:$0x3FB1]  }
0x2d: {  	s3 =	simm.s32 $0x108;
	s8 =	sld [smem:$0x3FB2]  }
0x2e: {  	s3 =	simm.s32 @!p0 $0x1082;
	s9 =	sld [smem:$0x3FB3]  }
0x2f: {  	lr =	sadd.s32 s0, s3;
	s0 =	sld [smem:$0x3FAA]  }
0x30: {  	s3 =	sld [smem:$0x3FAD]  }
0x31: {  	[smem:$0x3FB6] =	sst s10  }
0x32: {  	s10 =	sld [smem:$0x3FB4];
	_ =	sdelay $0x3  }
0x33: {  	p0 =	seq.s32 s10, $0x1;
	s10 =	sld [smem:$0x3FB6];
	_ =	sdelay $0x3  }
0x34: {  	[smem:$0x3FB6] =	sst s10  }
0x35: {  	s10 =	sld [smem:$0x3FB5];
	_ =	sdelay $0x3  }
0x36: {  	p1 =	seq.s32 s10, $0x1;
	s10 =	sld [smem:$0x3FB6];
	_ =	sdelay $0x3  }
0x37: {  	[smem:$0x3FB6] =	sst s10  }
0x38: {  	s10 =	sld [smem:$0x3FB7]  }
0x39: {  	_ = 	snop;
	(pc) =	sbr.ind lr, $3  }
0x3a: {  	_ = 	snop  }
0x3b: {  	_ = 	snop  }
0x3c: {  	p2 =	seq.s32 s10, $0x1;
	s10 =	sld [smem:$0x3FB6]  }
0x3d: {  	_ =	shalt  }
0x3e: {  	_ =	shalt  }
0x3f: {  	_ =	shalt  }
0x40: {  	_ =	shalt  }
0x41: {  	_ =	shalt  }
0x42: {  	_ =	shalt  }
0x43: {  	_ =	shalt  }
0x44: {  	_ =	shalt  }
0x45: {  	_ =	shalt  }
0x46: {  	_ =	shalt  }
0x47: {  	_ =	shalt  }
0x48: {  	_ =	shalt  }
0x49: {  	_ =	shalt  }
0x4a: {  	_ =	shalt  }
0x4b: {  	_ =	shalt  }
0x4c: {  	_ =	shalt  }
0x4d: {  	_ =	shalt  }
0x4e: {  	_ =	shalt  }
0x4f: {  	_ =	shalt  }
0x50: {  	_ =	shalt  }
0x51: {  	_ =	shalt  }
0x52: {  	_ =	shalt  }
0x53: {  	_ =	shalt  }
0x54: {  	_ =	shalt  }
0x55: {  	_ =	shalt  }
0x56: {  	_ =	shalt  }
0x57: {  	_ =	shalt  }
0x58: {  	_ =	shalt  }
0x59: {  	_ =	shalt  }
0x5a: {  	_ =	shalt  }
0x5b: {  	_ =	shalt  }
0x5c: {  	_ =	shalt  }
0x5d: {  	_ =	shalt  }
0x5e: {  	_ =	shalt  }
0x5f: {  	_ =	shalt  }
0x60: {  	_ =	shalt  }
0x61: {  	_ =	shalt  }
0x62: {  	_ =	shalt  }
0x63: {  	_ =	shalt  }
0x64: {  	_ =	shalt  }
0x65: {  	_ =	shalt  }
0x66: {  	_ =	shalt  }
0x67: {  	_ =	shalt  }
0x68: {  	_ =	shalt  }
0x69: {  	_ =	shalt  }
0x6a: {  	_ =	shalt  }
0x6b: {  	_ =	shalt  }
0x6c: {  	_ =	shalt  }
0x6d: {  	_ =	shalt  }
0x6e: {  	_ =	shalt  }
0x6f: {  	_ =	shalt  }
0x70: {  	_ =	shalt  }
0x71: {  	_ =	shalt  }
0x72: {  	_ =	shalt  }
0x73: {  	_ =	shalt  }
0x74: {  	_ =	shalt  }
0x75: {  	_ =	shalt  }
0x76: {  	_ =	shalt  }
0x77: {  	_ =	shalt  }
0x78: {  	_ =	shalt  }
0x79: {  	_ =	shalt  }
0x7a: {  	_ =	shalt  }
0x7b: {  	_ =	shalt  }
0x7c: {  	_ =	shalt  }
0x7d: {  	_ =	shalt  }
0x7e: {  	_ =	shalt  }
0x7f: {  	_ =	shalt  }
0x80: {  	_ =	shalt  }
0x81: {  	_ =	shalt  }
0x82: {  	_ =	shalt  }
0x83: {  	_ =	shalt  }
0x84: {  	_ =	shalt  }
0x85: {  	_ =	shalt  }
0x86: {  	_ =	shalt  }
0x87: {  	_ =	shalt  }
.Lfunc_end0:
.L_simem_size_0:
called_computation.2_lowered:
.L_overlay_start_0:
0x88: {  	s2 =	sld [smem:$0x3FD9]  }
0x89: {  	s3 =	sld [smem:$0x3FFE];
	_ =	sdelay $0x1  }
0x8a: {  	s1 =	srdreg.scid  }
0x8b: {  	s0 =	sand.u32 $0x1, s1  }
0x8c: {  	s17 =	sshll.u32 s0, $0xA;
	s2 =	sadd.s32 s3, s2  }
0x8d: {  	s2 =	sadd.s32 s2, s17  }
0x8e: {  	[smem:$0x3FC2] =	sst s2  }
0x8f: {  	_ = 	snop  }
0x90: {  	s2 =	sld [smem:$0x3FD0];
	(tm) =	ssettm $0x1  }
0x91: {  	s18 =	sld [smem:$0x3FFB];
	_ =	sdelay $0x3  }
0x92: {  	_ =	strace s18  }
0x93: {  	s3 =	sld [smem:$0x3FFC];
	_ =	sdelay $0x3  }
0x94: {  	_ =	strace s3  }
0x95: {  	s3 =	sld [smem:$0x3FFD];
	_ =	sdelay $0x3  }
0x96: {  	_ =	strace s3  }
0x97: {  	_ =	strace $0x8FFFFFFF  }
0x98: {  	s19 =	sld [smem:$0x3FDB];
	_ =	sdelay $0x1  }
0x99: {  	s4 =	simm.s32 $_scs_section_size  }
0x9a: {  	s5 =	simm.s32 $_size__tile_overlayer_lowered;
	s6 =	simm.s32 $_tile_overlayer_lowered  }
0x9b: {  	s22 =	simm.s32 $0x1BFF;
	s21 =	sshll.u32 s6, $0x1;
	s3 =	sadd.s32 s4, s19  }
0x9c: {  	s7 =	simm.s32 $0x0;
	s20 =	sshll.u32 s5, $0x1;
	s5 =	sadd.s32 s21, s3  }
0x9d: {  	[timem:s7], [sflag:s22] =	dma.local [hbm:s5], s20  }
0x9e: {  	_ =	swait.ge [sflag:s22], s20  }
0x9f: {  	s4 =	ssub.s32 $0x0, s20;
	[sflag:s22] =	ssyncset.done $0x0  }
0xa0: {  	[sflag:s22] =	ssyncadd.s32 s4;
	_ =	sdelay $0x1  }
0xa1: {  	s23 =	simm.s32 $0x1B8B  }
0xa2: {  	_ =	swait.ge [sflag:s23], $0x1  }
0xa3: {  	[sflag:s23] =	ssyncset.done $0x0  }
0xa4: {  	s25 =	simm.s32 $0x1B8E;
	s24 =	sld [smem:$0x3FFE];
	[sflag:s23] =	ssyncadd.s32 $0xFFFFFFFF  }
0xa5: {  	s26 =	simm.s32 $execute0_lowered;
	[smem:$0x3FD2] =	sst s25  }
0xa6: {  	s5 =	sshll.u32 s26, $0x1;
	_ =	strace $0x8000004C;
	[dreg:$0x1] =	wrdreg $0xFFFFFFFF  }
0xa7: {  	s28 =	simm.s32 $_size_execute0_lowered;
	s3 =	sadd.s32 s3, s5;
	[dreg:$0x0] =	wrdreg $0x0  }
0xa8: {  	s5 =	sshll.u32 s28, $0x1;
	[dreg:$0x2] =	wrdreg s3  }
0xa9: {  	[dreg:$0x3] =	wrdreg s5  }
0xaa: {  	[dreg:$0x4] =	wrdreg $0xC0  }
0xab: {  	_ =	task [dreg:s7], $0x5FFFF  }
0xac: {  	[dreg:$0x1] =	wrdreg $0xFFFFFFFF  }
0xad: {  	[dreg:$0x0] =	wrdreg $0x60  }
0xae: {  	[dreg:$0x2] =	wrdreg s2  }
0xaf: {  	[dreg:$0x3] =	wrdreg s24  }
0xb0: {  	[dreg:$0x4] =	wrdreg $0x15E800  }
0xb1: {  	[dreg:$0x5] =	wrdreg $0xC0800  }
0xb2: {  	[dreg:$0x6] =	wrdreg $0x9  }
0xb3: {  	_ =	task.clear_ibuf [dreg:s7], $0x7FFFF;
	_ =	strace $0x9000004C  }
0xb4: {  	s29 =	simm.s32 $0x9;
	_ =	strace $0x8000004E  }
0xb5: {  	_ =	swait.ge [sflag:s29], $0x1  }
0xb6: {  	[sflag:s29] =	ssyncadd.s32 $0xFFFFFFFF  }
0xb7: {  	_ =	strace $0x9000004E  }
0xb8: {  	_ =	sfence  }
0xb9: {  	s30 =	sld [smem:$0x0];
	_ =	sdelay $0x2  }
0xba: {  	s31 =	sshll.u32 s1, $0xD;
	s1 =	sshrl.u32 s1, $0x2  }
0xbb: {  	s3 =	sand.u32 $0x4000, s31;
	s1 =	sadd.s32 s1, s30  }
0xbc: {  	s0 =	sor.u32 s3, s0;
	s1 =	sshll.u32 s1, $0x11  }
0xbd: {  	s0 =	sor.u32 s1, s0  }
0xbe: {  	s0 =	sadd.s32 $0x8F2B, s0  }
0xbf: {  	[sflag:s0] =	ssyncadd.remote.s32 $0x1  }
0xc0: {  	_ =	sfence.sel $0xFFFF  }
0xc1: {  	[dreg:$0x0] =	wrdreg $0xFFFFFFFF;
	(pc) =	sbr.abs _section_cstart, $3  }
0xc2: {  	[dreg:$0x1] =	wrdreg $0xFFFFFFFF  }
0xc3: {  	_ =	task.clear_ibuf [dreg:s7], $0x2FFFF;
	_ =	strace $0x9FFFFFFF  }
0xc4: {  	(tm) =	ssettm $0x7FFFFFFF  }
0xc5: {  	_ =	shalt  }
tec
execute0_lowered:
.L_overlay_start_1:
0x0: {  	(tag) =	ssettag $0x1  }
0x1: {  	s0 =	rddreg [dreg:$0x0]  }
0x2: {  	s1 =	rddreg [dreg:$0x1]  }
0x3: {  	s3 =	srdreg.scid;
	s2 =	rddreg [dreg:$0x2]  }
0x4: {  	s12 =	stileid.u32;
	s4 =	simm.s32 $0x0;
	s16 =	simm.s32 $0x70  }
0x5: {  	s17 =	simm.s32 $0x5080;
	s18 =	simm.s32 $0x6C80;
	s19 =	simm.s32 $0x8880  }
0x6: {  	s20 =	simm.s32 $0xA480;
	s21 =	simm.s32 $0x1;
	s22 =	simm.s32 $0x2  }
0x7: {  	s23 =	simm.s32 $0x3;
	s24 =	simm.s32 $0x4;
	s28 =	simm.s32 $0x7  }
0x8: {  	s29 =	simm.s32 $0x8;
	s30 =	simm.s32 $0x0;
	s7 =	smul.u32 $0x2840, s12  }
0x9: {  	s5 =	sand.u32 $0x1, s3;
	s3 =	rddreg [dreg:$0x3];
	s8 =	smul.u32 $0x9E00, s12  }
0xa: {  	[smem:$0x7FF] =	sst s4;
	s31 =	sshll.u32 s12, $0x6;
	s6 =	smul.u32 $0x28400, s5  }
0xb: {  	s25 =	smul.u32 $0x9E000, s5;
	_ =	strace $0x8000004D;
	s5 =	ssub.s32 $0x2, s5  }
0xc: {  	s13 =	sor.u32 $0x1C09, s31;
	s9 =	sshrl.u32 s8, $0x3;
	s11 =	sshrl.u32 s5, $0x1  }
0xd: {  	s14 =	sadd.s32 s8, s2;
	s26 =	sadd.s32 s8, s3;
	s6 =	sadd.s32 s7, s6  }
0xe: {  	s7 =	sadd.s32 s8, s25;
	s10 =	sadd.s32 s9, s1;
	s11 =	ssub.s32 s5, s11  }
0xf: {  	s14 =	sshrl.u32 s14, $0x3;
	s15 =	sshrl.u32 s26, $0x3;
	s25 =	simm.s32 $0x5  }
0x10: {  	s26 =	simm.s32 $0x6;
	s6 =	sshrl.u32 s6, $0x3;
	s7 =	sshrl.u32 s7, $0x3  }
0x11: {  	s8 =	sadd.s32 $0x1AC00, s10;
	s10 =	smax.u32 s11, $0x1;
	s11 =	simm.s32 $0x9  }
0x12: {  	s6 =	sadd.s32 s6, s1;
	s1 =	sadd.s32 s7, s1;
	s7 =	sadd.s32 s0, s9  }
0x13: {  	s5 =	sadd.s32 $0x10A00, s6;
	s6 =	sadd.s32 $0x1600, s6;
	s9 =	sadd.s32 $0x2E800, s1  }
.LBB2_1:
0x14: {  	[tilespmem:s4], [sflag:$0x9] =	stream.linear.gather [hbm4b:s5+s4], $0x2840, $0x38;
	[tilespmem:$0x1FC80] =	vst v63  }
0x15: {  	_ =	swait.ge [sflag:s11], $0x2840  }
0x16: {  	[sflag:s11] =	ssyncset.done $0x0  }
0x17: {  	s0 =	simm.s32 $0x2840;
	[sflag:s11] =	ssyncadd.s32 $0xFFFFD7C0  }
0x18: {  	[tilespmem:s0], [sflag:$0x9] =	stream.linear.gather [hbm4b:s6+s4], $0x2840, $0x38;
	[tilespmem:$0x1FC80] =	vst v63  }
0x19: {  	_ =	swait.ge [sflag:s11], $0x2840  }
0x1a: {  	[sflag:s11] =	ssyncset.done $0x0  }
0x1b: {  	[sflag:s11] =	ssyncadd.s32 $0xFFFFD7C0  }
0x1c: {  	[spmem:s14], [sflag:s13] =	dma.local [hbm:s7], $0x13C0  }
0x1d: {  	_ =	swait.ge [sflag:s11], $0x13C0  }
0x1e: {  	[sflag:s11] =	ssyncset.done $0x0  }
0x1f: {  	[sflag:s11] =	ssyncadd.s32 $0xFFFFEC40  }
0x20: {  	[spmem:s15], [sflag:s13] =	dma.local [hbm:s8], $0x13C0  }
0x21: {  	_ =	swait.ge [sflag:s11], $0x13C0  }
0x22: {  	[sflag:s11] =	ssyncset.done $0x0  }
0x23: {  	[sflag:s11] =	ssyncadd.s32 $0xFFFFEC40  }
0x24: {  	s1 =	simm.s32 $0x0;
	[bflag:$0x0] =	sbarrier.arrive $0xFFFF  }
0x25: {  	[tilespmem:s17], [sflag:$0x1] =	stream.indirect.gather [spmem:s2], $0x40, s1, s16, $0xb8;
	[tilespmem:$0x1FC80] =	vst v63  }
0x26: {  	s12 =	simm.s32 $0x70  }
0x27: {  	[tilespmem:s18], [sflag:$0x2] =	stream.indirect.gather [spmem:s2], $0x40, s12, s16, $0xb8;
	[tilespmem:$0x1FC80] =	vst v63  }
0x28: {  	s1 =	simm.s32 $0xE0  }
0x29: {  	[tilespmem:s19], [sflag:$0x3] =	stream.indirect.gather [spmem:s2], $0x40, s1, s16, $0xb8;
	[tilespmem:$0x1FC80] =	vst v63  }
0x2a: {  	s12 =	simm.s32 $0x150  }
0x2b: {  	[tilespmem:s20], [sflag:$0x4] =	stream.indirect.gather [spmem:s2], $0x40, s12, s16, $0xb8;
	[tilespmem:$0x1FC80] =	vst v63  }
0x2c: {  	_ =	swait.ge [sflag:s21], $0x1C00  }
0x2d: {  	[sflag:s21] =	ssyncset.done $0x0  }
0x2e: {  	s1 =	simm.s32 $0x2840;
	[sflag:s21] =	ssyncadd.s32 $0xFFFFE400  }
0x2f: {  	[spmem:s3] =	stream.indirect.scatter.add.f32 [tilespmem:s17], [sflag:$0x5], $0x40, s1, s16, $0xb8;
	[tilespmem:$0x1FC80] =	vst v63  }
0x30: {  	_ =	swait.ge [sflag:s22], $0x1C00  }
0x31: {  	[sflag:s22] =	ssyncset.done $0x0  }
0x32: {  	s12 =	simm.s32 $0x28B0;
	[sflag:s22] =	ssyncadd.s32 $0xFFFFE400  }
0x33: {  	[spmem:s3] =	stream.indirect.scatter.add.f32 [tilespmem:s18], [sflag:$0x6], $0x40, s12, s16, $0xb8;
	[tilespmem:$0x1FC80] =	vst v63  }
0x34: {  	_ =	swait.ge [sflag:s23], $0x1C00  }
0x35: {  	[sflag:s23] =	ssyncset.done $0x0  }
0x36: {  	s1 =	simm.s32 $0x2920;
	[sflag:s23] =	ssyncadd.s32 $0xFFFFE400  }
0x37: {  	[spmem:s3] =	stream.indirect.scatter.add.f32 [tilespmem:s19], [sflag:$0x7], $0x40, s1, s16, $0xb8;
	[tilespmem:$0x1FC80] =	vst v63  }
0x38: {  	_ =	swait.ge [sflag:s24], $0x1C00  }
0x39: {  	[sflag:s24] =	ssyncset.done $0x0  }
0x3a: {  	s12 =	simm.s32 $0x2990;
	[sflag:s24] =	ssyncadd.s32 $0xFFFFE400  }
0x3b: {  	[spmem:s3] =	stream.indirect.scatter.add.f32 [tilespmem:s20], [sflag:$0x8], $0x40, s12, s16, $0xb8;
	[tilespmem:$0x1FC80] =	vst v63  }
0x3c: {  	_ =	swait.ge [sflag:s25], $0x1C00  }
0x3d: {  	[sflag:s25] =	ssyncset.done $0x0  }
0x3e: {  	[sflag:s25] =	ssyncadd.s32 $0xFFFFE400  }
0x3f: {  	_ =	swait.ge [sflag:s26], $0x1C00  }
0x40: {  	[sflag:s26] =	ssyncset.done $0x0  }
0x41: {  	[sflag:s26] =	ssyncadd.s32 $0xFFFFE400  }
0x42: {  	_ =	swait.ge [sflag:s28], $0x1C00  }
0x43: {  	[sflag:s28] =	ssyncset.done $0x0  }
0x44: {  	[sflag:s28] =	ssyncadd.s32 $0xFFFFE400  }
0x45: {  	_ =	swait.ge [sflag:s29], $0x1C00  }
0x46: {  	s31 =	simm.s32 $0x700;
	s1 =	simm.s32 $0xE00;
	[sflag:s29] =	ssyncset.done $0x0  }
.LBB2_2:
0x47: {  	s12 =	sshra.s32 s31, $0x2  }
0x48: {  	[sflag:s29] =	ssyncadd.s32 $0xFFFFE400;
	s31 =	smov.u32 s1;
	s0 =	sadd.s32 $0x700, s1  }
0x49: {  	[tilespmem:s17], [sflag:$0x1] =	stream.indirect.gather [spmem:s2], $0x40, s12, s16, $0xb8;
	[tilespmem:$0x1FC80] =	vst v63  }
0x4a: {  	p0 =	sne.s32 s1, $0x9A00;
	s1 =	sadd.s32 $0x70, s12  }
0x4b: {  	[tilespmem:s18], [sflag:$0x2] =	stream.indirect.gather [spmem:s2], $0x40, s1, s16, $0xb8;
	[tilespmem:$0x1FC80] =	vst v63  }
0x4c: {  	s1 =	sadd.s32 $0xE0, s12  }
0x4d: {  	[tilespmem:s19], [sflag:$0x3] =	stream.indirect.gather [spmem:s2], $0x40, s1, s16, $0xb8;
	[tilespmem:$0x1FC80] =	vst v63  }
0x4e: {  	s1 =	sadd.s32 $0x150, s12  }
0x4f: {  	[tilespmem:s20], [sflag:$0x4] =	stream.indirect.gather [spmem:s2], $0x40, s1, s16, $0xb8;
	[tilespmem:$0x1FC80] =	vst v63  }
0x50: {  	_ =	swait.ge [sflag:s21], $0x1C00  }
0x51: {  	[sflag:s21] =	ssyncset.done $0x0  }
0x52: {  	s1 =	sadd.s32 $0x2840, s12;
	[sflag:s21] =	ssyncadd.s32 $0xFFFFE400  }
0x53: {  	[spmem:s3] =	stream.indirect.scatter.add.f32 [tilespmem:s17], [sflag:$0x5], $0x40, s1, s16, $0xb8;
	[tilespmem:$0x1FC80] =	vst v63  }
0x54: {  	_ =	swait.ge [sflag:s22], $0x1C00  }
0x55: {  	[sflag:s22] =	ssyncset.done $0x0  }
0x56: {  	s1 =	sadd.s32 $0x28B0, s12;
	[sflag:s22] =	ssyncadd.s32 $0xFFFFE400  }
0x57: {  	[spmem:s3] =	stream.indirect.scatter.add.f32 [tilespmem:s18], [sflag:$0x6], $0x40, s1, s16, $0xb8;
	[tilespmem:$0x1FC80] =	vst v63  }
0x58: {  	_ =	swait.ge [sflag:s23], $0x1C00  }
0x59: {  	[sflag:s23] =	ssyncset.done $0x0  }
0x5a: {  	s1 =	sadd.s32 $0x2920, s12;
	[sflag:s23] =	ssyncadd.s32 $0xFFFFE400  }
0x5b: {  	[spmem:s3] =	stream.indirect.scatter.add.f32 [tilespmem:s19], [sflag:$0x7], $0x40, s1, s16, $0xb8;
	[tilespmem:$0x1FC80] =	vst v63  }
0x5c: {  	_ =	swait.ge [sflag:s24], $0x1C00  }
0x5d: {  	[sflag:s24] =	ssyncset.done $0x0  }
0x5e: {  	s1 =	sadd.s32 $0x2990, s12;
	[sflag:s24] =	ssyncadd.s32 $0xFFFFE400  }
0x5f: {  	[spmem:s3] =	stream.indirect.scatter.add.f32 [tilespmem:s20], [sflag:$0x8], $0x40, s1, s16, $0xb8;
	[tilespmem:$0x1FC80] =	vst v63  }
0x60: {  	_ =	swait.ge [sflag:s25], $0x1C00  }
0x61: {  	[sflag:s25] =	ssyncset.done $0x0  }
0x62: {  	[sflag:s25] =	ssyncadd.s32 $0xFFFFE400  }
0x63: {  	_ =	swait.ge [sflag:s26], $0x1C00  }
0x64: {  	[sflag:s26] =	ssyncset.done $0x0  }
0x65: {  	[sflag:s26] =	ssyncadd.s32 $0xFFFFE400  }
.Ltmp0:
0x66: {  	_ =	swait.ge [sflag:s28], $0x1C00;
	(pc) =	sbr.rel @p0 .LBB2_2-.Ltmp0, $4  }
0x67: {  	[sflag:s28] =	ssyncset.done $0x0  }
0x68: {  	[sflag:s28] =	ssyncadd.s32 $0xFFFFE400  }
0x69: {  	_ =	swait.ge [sflag:s29], $0x1C00  }
0x6a: {  	s1 =	smov.u32 s0;
	[sflag:s29] =	ssyncset.done $0x0  }
0x6b: {  	s0 =	sshra.s32 s31, $0x2;
	[sflag:s29] =	ssyncadd.s32 $0xFFFFE400  }
0x6c: {  	[tilespmem:s17], [sflag:$0x1] =	stream.indirect.gather [spmem:s2], $0x40, s0, s16, $0xb8;
	[tilespmem:$0x1FC80] =	vst v63  }
0x6d: {  	s1 =	sadd.s32 $0x70, s0  }
0x6e: {  	[tilespmem:s18], [sflag:$0x2] =	stream.indirect.gather [spmem:s2], $0x40, s1, s16, $0xb8;
	[tilespmem:$0x1FC80] =	vst v63  }
0x6f: {  	s31 =	sadd.s32 $0xE0, s0  }
0x70: {  	[tilespmem:s19], [sflag:$0x3] =	stream.indirect.gather [spmem:s2], $0x40, s31, s16, $0xb8;
	[tilespmem:$0x1FC80] =	vst v63  }
0x71: {  	s12 =	sadd.s32 $0x150, s0  }
0x72: {  	[tilespmem:s20], [sflag:$0x4] =	stream.indirect.gather [spmem:s2], $0x40, s12, s16, $0xb8;
	[tilespmem:$0x1FC80] =	vst v63  }
0x73: {  	_ =	swait.ge [sflag:s21], $0x1C00  }
0x74: {  	[sflag:s21] =	ssyncset.done $0x0  }
0x75: {  	s31 =	sadd.s32 $0x2840, s0;
	[sflag:s21] =	ssyncadd.s32 $0xFFFFE400  }
0x76: {  	[spmem:s3] =	stream.indirect.scatter.add.f32 [tilespmem:s17], [sflag:$0x5], $0x40, s31, s16, $0xb8;
	[tilespmem:$0x1FC80] =	vst v63  }
0x77: {  	_ =	swait.ge [sflag:s22], $0x1C00  }
0x78: {  	[sflag:s22] =	ssyncset.done $0x0  }
0x79: {  	s12 =	sadd.s32 $0x28B0, s0;
	[sflag:s22] =	ssyncadd.s32 $0xFFFFE400  }
0x7a: {  	[spmem:s3] =	stream.indirect.scatter.add.f32 [tilespmem:s18], [sflag:$0x6], $0x40, s12, s16, $0xb8;
	[tilespmem:$0x1FC80] =	vst v63  }
0x7b: {  	_ =	swait.ge [sflag:s23], $0x1C00  }
0x7c: {  	[sflag:s23] =	ssyncset.done $0x0  }
0x7d: {  	s31 =	sadd.s32 $0x2920, s0;
	[sflag:s23] =	ssyncadd.s32 $0xFFFFE400  }
0x7e: {  	[spmem:s3] =	stream.indirect.scatter.add.f32 [tilespmem:s19], [sflag:$0x7], $0x40, s31, s16, $0xb8;
	[tilespmem:$0x1FC80] =	vst v63  }
0x7f: {  	_ =	swait.ge [sflag:s24], $0x1C00  }
0x80: {  	[sflag:s24] =	ssyncset.done $0x0  }
0x81: {  	s0 =	sadd.s32 $0x2990, s0;
	[sflag:s24] =	ssyncadd.s32 $0xFFFFE400  }
0x82: {  	[spmem:s3] =	stream.indirect.scatter.add.f32 [tilespmem:s20], [sflag:$0x8], $0x40, s0, s16, $0xb8;
	[tilespmem:$0x1FC80] =	vst v63  }
0x83: {  	_ =	swait.ge [sflag:s25], $0x1C00  }
0x84: {  	[sflag:s25] =	ssyncset.done $0x0  }
0x85: {  	[sflag:s25] =	ssyncadd.s32 $0xFFFFE400  }
0x86: {  	_ =	swait.ge [sflag:s26], $0x1C00  }
0x87: {  	[sflag:s26] =	ssyncset.done $0x0  }
0x88: {  	[sflag:s26] =	ssyncadd.s32 $0xFFFFE400  }
0x89: {  	_ =	swait.ge [sflag:s28], $0x1C00  }
0x8a: {  	[sflag:s28] =	ssyncset.done $0x0  }
0x8b: {  	[sflag:s28] =	ssyncadd.s32 $0xFFFFE400  }
0x8c: {  	_ =	swait.ge [sflag:s29], $0x1C00  }
0x8d: {  	s30 =	sadd.s32 $0x1, s30;
	[sflag:s29] =	ssyncset.done $0x0  }
0x8e: {  	p0 =	sne.s32 s30, s10;
	[sflag:s29] =	ssyncadd.s32 $0xFFFFE400  }
.Ltmp1:
0x8f: {  	[bflag:$0x0] =	sbarrier.arrive $0xFFFF;
	(pc) =	sbr.rel @p0 .LBB2_1-.Ltmp1, $4  }
0x90: {  	[hbm:s9], [sflag:s13] =	dma.local [spmem:s15], $0x13C0  }
0x91: {  	_ =	swait.ge [sflag:s11], $0x13C0  }
0x92: {  	[sflag:s11] =	ssyncset.done $0x0  }
0x93: {  	[sflag:s11] =	ssyncadd.s32 $0xFFFFEC40  }
0x94: {  	_ =	sfence.sel $0x180000  }
0x95: {  	[bflag:$0x0] =	sbarrier.arrive $0xFFFF  }
0x96: {  	_ =	strace $0x9000004D  }
0x97: {  	s0 =	stileid.u32;
	[bflag:$0x2] =	sbarrier.arrive $0xFFFF  }
0x98: {  	p0 =	sne.s32 s0, $0x0;
	s0 =	rddreg [dreg:$0x4]  }
0x99: {  	s0 =	sadd.s32 @!p0 $0x100000, s0  }
0x9a: {  	[sflag:s0] =	ssyncadd.tile.s32 @!p0 $0x1;
	_ =	shalt  }
.Lfunc_end2:
_tile_overlayer_lowered:
.L_overlay_start_2:
0x9b: {  	(tag) =	ssettag $0x2  }
0x9c: {  	s0 =	rddreg [dreg:$0x0];
	s2 =	stileid.u32  }
0x9d: {  	s1 =	rddreg [dreg:$0x1];
	p0 =	sne.s32 s2, $0x0  }
0x9e: {  	s3 =	rddreg [dreg:$0x2];
	[bflag:$0x3] =	sbarrier.arrive $0xFFFF;
	s2 =	simm.s32 @!p0 $0x1C09  }
0x9f: {  	[timem:s3], [sflag:s2] =	dma.local @!p0 [hbm:s0], s1  }
0xa0: {  	s0 =	simm.s32 @!p0 $0x9  }
0xa1: {  	_ =	swait.ge @!p0 [sflag:s0], s1  }
0xa2: {  	s1 =	ssub.s32 @!p0 $0x0, s1;
	[sflag:s0] =	ssyncset.done @!p0 $0x0  }
0xa3: {  	[sflag:s0] =	ssyncadd.s32 @!p0 s1  }
0xa4: {  	[bflag:$0x3] =	sbarrier.arrive $0xFFFF  }
0xa5: {  	_ =	shalt  }

// kernel: kernel.9.cloned.1.call-start
scs
__scs_entry_jumppad:
0x0: {  	(pc) =	sbr.rel $0x88, $3  }
0x1: {  	(tag) =	ssettag $0x0;
	lr =	simm.s32 $0x1  }
0x2: {  	[smem:$0x3F9B] =	sst lr;
	_ =	strace $0xD0000000  }
0x3: {  	_ = 	snop  }
0x4: {  	_ = 	snop  }
0x5: {  	_ = 	snop  }
0x6: {  	_ = 	snop  }
0x7: {  	_ = 	snop  }
__scs_overlays_trampoline_lowered:
0x8: {  	[smem:$0x3FAA] =	sst s0  }
0x9: {  	[smem:$0x3FAB] =	sst s1  }
0xa: {  	[smem:$0x3FAC] =	sst s2  }
0xb: {  	[smem:$0x3FAD] =	sst s3  }
0xc: {  	[smem:$0x3FAE] =	sst s4  }
0xd: {  	[smem:$0x3FAF] =	sst s5  }
0xe: {  	[smem:$0x3FB0] =	sst s6  }
0xf: {  	[smem:$0x3FB1] =	sst s7  }
0x10: {  	[smem:$0x3FB2] =	sst s8  }
0x11: {  	[smem:$0x3FB3] =	sst s9;
	s0 =	simm.s32 @!p0 $0x0  }
0x12: {  	s1 =	sld [smem:$0x3F99];
	s0 =	simm.s32 @p0 $0x1  }
0x13: {  	[smem:$0x3FB4] =	sst s0;
	s0 =	simm.s32 @!p1 $0x0  }
0x14: {  	s2 =	sld [smem:$0x3F98];
	s0 =	simm.s32 @p1 $0x1  }
0x15: {  	[smem:$0x3FB5] =	sst s0;
	s0 =	simm.s32 @!p2 $0x0  }
0x16: {  	s3 =	sld [smem:$0x3FDB];
	s0 =	simm.s32 @p2 $0x1  }
0x17: {  	s4 =	simm.s32 $0x1BF5;
	[smem:$0x3FB7] =	sst s0  }
0x18: {  	s0 =	sld [smem:$0x3F9A];
	_ =	swait.ge [sflag:s4], $0x0  }
0x19: {  	s7 =	sld [smem:$0x3F9B]  }
0x1a: {  	s8 =	sadd.s32 $0xFFFFE003, lr  }
0x1b: {  	s9 =	sadd.s32 $0xFFFFFEF7, lr;
	s5 =	simm.s32 $0xFFFFFFFF;
	p2 =	slt.u32 s8, $0xFFFFF086  }
0x1c: {  	p1 =	slt.u32 s9, $0xF7A;
	s5 =	simm.s32 @!p2 $0x0  }
0x1d: {  	s5 =	simm.s32 @p1 $0x1;
	p0 =	seq.s32 s7, s2  }
0x1e: {  	s7 =	smul.u32 @!p0 $0xF7A, s2;
	p2 =	seq.s32 @!p0 s5, $0x0  }
0x1f: {  	s9 =	smul.u32 $0xF7A, s1;
	s8 =	simm.s32 @!p0 $0x1BF5;
	p2 =	por !p2, p0  }
0x20: {  	[sflag:s8] =	ssyncset.s32 @!p0 $0xFFFFF086;
	s6 =	sadd.s32 @!p0 s3, s7;
	s7 =	simm.s32 @!p0 $0x108  }
0x21: {  	s3 =	sadd.s32 s3, s9;
	s6 =	sadd.s32 @!p0 $0x88, s6;
	s7 =	simm.s32 @p2 $0x1082  }
0x22: {  	[simem:s7], [sflag:s8] =	dma.local @!p0 [hbm:s6], $0xF7A  }
0x23: {  	s9 =	sor.u32 $0xD0000000, s2;
	s6 =	simm.s32 $0x108;
	_ =	swait.ge @!p0 [sflag:s8], $0x0  }
0x24: {  	s3 =	sadd.s32 $0x88, s3;
	s6 =	simm.s32 @!p1 $0x1082;
	[sflag:s4] =	ssyncset.s32 $0xFFFFF086  }
0x25: {  	[simem:s6], [sflag:s4] =	dma.local [hbm:s3], $0xF7A  }
0x26: {  	[smem:$0x3F9B] =	sst s1;
	(tag) =	ssettag s2;
	_ =	strace s9  }
0x27: {  	s1 =	sld [smem:$0x3FAB]  }
0x28: {  	s2 =	sld [smem:$0x3FAC]  }
0x29: {  	s4 =	sld [smem:$0x3FAE]  }
0x2a: {  	p0 =	seq.s32 s5, $0x0;
	s5 =	sld [smem:$0x3FAF]  }
0x2b: {  	s6 =	sld [smem:$0x3FB0]  }
0x2c: {  	s7 =	sld [smem:$0x3FB1]  }
0x2d: {  	s3 =	simm.s32 $0x108;
	s8 =	sld [smem:$0x3FB2]  }
0x2e: {  	s3 =	simm.s32 @!p0 $0x1082;
	s9 =	sld [smem:$0x3FB3]  }
0x2f: {  	lr =	sadd.s32 s0, s3;
	s0 =	sld [smem:$0x3FAA]  }
0x30: {  	s3 =	sld [smem:$0x3FAD]  }
0x31: {  	[smem:$0x3FB6] =	sst s10  }
0x32: {  	s10 =	sld [smem:$0x3FB4];
	_ =	sdelay $0x3  }
0x33: {  	p0 =	seq.s32 s10, $0x1;
	s10 =	sld [smem:$0x3FB6];
	_ =	sdelay $0x3  }
0x34: {  	[smem:$0x3FB6] =	sst s10  }
0x35: {  	s10 =	sld [smem:$0x3FB5];
	_ =	sdelay $0x3  }
0x36: {  	p1 =	seq.s32 s10, $0x1;
	s10 =	sld [smem:$0x3FB6];
	_ =	sdelay $0x3  }
0x37: {  	[smem:$0x3FB6] =	sst s10  }
0x38: {  	s10 =	sld [smem:$0x3FB7]  }
0x39: {  	_ = 	snop;
	(pc) =	sbr.ind lr, $3  }
0x3a: {  	_ = 	snop  }
0x3b: {  	_ = 	snop  }
0x3c: {  	p2 =	seq.s32 s10, $0x1;
	s10 =	sld [smem:$0x3FB6]  }
0x3d: {  	_ =	shalt  }
0x3e: {  	_ =	shalt  }
0x3f: {  	_ =	shalt  }
0x40: {  	_ =	shalt  }
0x41: {  	_ =	shalt  }
0x42: {  	_ =	shalt  }
0x43: {  	_ =	shalt  }
0x44: {  	_ =	shalt  }
0x45: {  	_ =	shalt  }
0x46: {  	_ =	shalt  }
0x47: {  	_ =	shalt  }
0x48: {  	_ =	shalt  }
0x49: {  	_ =	shalt  }
0x4a: {  	_ =	shalt  }
0x4b: {  	_ =	shalt  }
0x4c: {  	_ =	shalt  }
0x4d: {  	_ =	shalt  }
0x4e: {  	_ =	shalt  }
0x4f: {  	_ =	shalt  }
0x50: {  	_ =	shalt  }
0x51: {  	_ =	shalt  }
0x52: {  	_ =	shalt  }
0x53: {  	_ =	shalt  }
0x54: {  	_ =	shalt  }
0x55: {  	_ =	shalt  }
0x56: {  	_ =	shalt  }
0x57: {  	_ =	shalt  }
0x58: {  	_ =	shalt  }
0x59: {  	_ =	shalt  }
0x5a: {  	_ =	shalt  }
0x5b: {  	_ =	shalt  }
0x5c: {  	_ =	shalt  }
0x5d: {  	_ =	shalt  }
0x5e: {  	_ =	shalt  }
0x5f: {  	_ =	shalt  }
0x60: {  	_ =	shalt  }
0x61: {  	_ =	shalt  }
0x62: {  	_ =	shalt  }
0x63: {  	_ =	shalt  }
0x64: {  	_ =	shalt  }
0x65: {  	_ =	shalt  }
0x66: {  	_ =	shalt  }
0x67: {  	_ =	shalt  }
0x68: {  	_ =	shalt  }
0x69: {  	_ =	shalt  }
0x6a: {  	_ =	shalt  }
0x6b: {  	_ =	shalt  }
0x6c: {  	_ =	shalt  }
0x6d: {  	_ =	shalt  }
0x6e: {  	_ =	shalt  }
0x6f: {  	_ =	shalt  }
0x70: {  	_ =	shalt  }
0x71: {  	_ =	shalt  }
0x72: {  	_ =	shalt  }
0x73: {  	_ =	shalt  }
0x74: {  	_ =	shalt  }
0x75: {  	_ =	shalt  }
0x76: {  	_ =	shalt  }
0x77: {  	_ =	shalt  }
0x78: {  	_ =	shalt  }
0x79: {  	_ =	shalt  }
0x7a: {  	_ =	shalt  }
0x7b: {  	_ =	shalt  }
0x7c: {  	_ =	shalt  }
0x7d: {  	_ =	shalt  }
0x7e: {  	_ =	shalt  }
0x7f: {  	_ =	shalt  }
0x80: {  	_ =	shalt  }
0x81: {  	_ =	shalt  }
0x82: {  	_ =	shalt  }
0x83: {  	_ =	shalt  }
0x84: {  	_ =	shalt  }
0x85: {  	_ =	shalt  }
0x86: {  	_ =	shalt  }
0x87: {  	_ =	shalt  }
.Lfunc_end0:
.L_simem_size_0:
called_computation_lowered:
.L_overlay_start_0:
0x88: {  	s2 =	sld [smem:$0x3FD9]  }
0x89: {  	s3 =	sld [smem:$0x3FFE];
	_ =	sdelay $0x1  }
0x8a: {  	s1 =	srdreg.scid  }
0x8b: {  	s0 =	sand.u32 $0x1, s1  }
0x8c: {  	s17 =	sshll.u32 s0, $0xA;
	s2 =	sadd.s32 s3, s2  }
0x8d: {  	s2 =	sadd.s32 s2, s17  }
0x8e: {  	[smem:$0x3FC2] =	sst s2  }
0x8f: {  	_ = 	snop  }
0x90: {  	s2 =	sld [smem:$0x3FD0];
	(tm) =	ssettm $0x1  }
0x91: {  	s18 =	sld [smem:$0x3FFB];
	_ =	sdelay $0x3  }
0x92: {  	_ =	strace s18  }
0x93: {  	s3 =	sld [smem:$0x3FFC];
	_ =	sdelay $0x3  }
0x94: {  	_ =	strace s3  }
0x95: {  	s3 =	sld [smem:$0x3FFD];
	_ =	sdelay $0x3  }
0x96: {  	_ =	strace s3  }
0x97: {  	_ =	strace $0x8FFFFFFF  }
0x98: {  	s19 =	sld [smem:$0x3FDB];
	_ =	sdelay $0x1  }
0x99: {  	s4 =	simm.s32 $_scs_section_size  }
0x9a: {  	s5 =	simm.s32 $_size__tile_overlayer_lowered;
	s6 =	simm.s32 $_tile_overlayer_lowered  }
0x9b: {  	s22 =	simm.s32 $0x1BFF;
	s21 =	sshll.u32 s6, $0x1;
	s3 =	sadd.s32 s4, s19  }
0x9c: {  	s7 =	simm.s32 $0x0;
	s20 =	sshll.u32 s5, $0x1;
	s5 =	sadd.s32 s21, s3  }
0x9d: {  	[timem:s7], [sflag:s22] =	dma.local [hbm:s5], s20  }
0x9e: {  	_ =	swait.ge [sflag:s22], s20  }
0x9f: {  	s4 =	ssub.s32 $0x0, s20;
	[sflag:s22] =	ssyncset.done $0x0  }
0xa0: {  	[sflag:s22] =	ssyncadd.s32 s4;
	_ =	sdelay $0x1  }
0xa1: {  	s23 =	simm.s32 $0x1B8B  }
0xa2: {  	_ =	swait.ge [sflag:s23], $0x1  }
0xa3: {  	[sflag:s23] =	ssyncset.done $0x0  }
0xa4: {  	s25 =	simm.s32 $0x1B8E;
	s24 =	sld [smem:$0x3FFE];
	[sflag:s23] =	ssyncadd.s32 $0xFFFFFFFF  }
0xa5: {  	s26 =	simm.s32 $execute0_lowered;
	[smem:$0x3FD2] =	sst s25  }
0xa6: {  	s5 =	sshll.u32 s26, $0x1;
	_ =	strace $0x80000046;
	[dreg:$0x1] =	wrdreg $0xFFFFFFFF  }
0xa7: {  	s28 =	simm.s32 $_size_execute0_lowered;
	s3 =	sadd.s32 s3, s5;
	[dreg:$0x0] =	wrdreg $0x0  }
0xa8: {  	s5 =	sshll.u32 s28, $0x1;
	[dreg:$0x2] =	wrdreg s3  }
0xa9: {  	[dreg:$0x3] =	wrdreg s5  }
0xaa: {  	[dreg:$0x4] =	wrdreg $0xC0  }
0xab: {  	_ =	task [dreg:s7], $0x5FFFF  }
0xac: {  	[dreg:$0x1] =	wrdreg $0xFFFFFFFF  }
0xad: {  	[dreg:$0x0] =	wrdreg $0x60  }
0xae: {  	[dreg:$0x2] =	wrdreg s24  }
0xaf: {  	[dreg:$0x3] =	wrdreg s2  }
0xb0: {  	[dreg:$0x4] =	wrdreg $0x2F400  }
0xb1: {  	[dreg:$0x5] =	wrdreg $0x9  }
0xb2: {  	_ =	task.clear_ibuf [dreg:s7], $0x6FFFF;
	_ =	strace $0x90000046  }
0xb3: {  	s29 =	simm.s32 $0x9;
	_ =	strace $0x80000048  }
0xb4: {  	_ =	swait.ge [sflag:s29], $0x1  }
0xb5: {  	[sflag:s29] =	ssyncadd.s32 $0xFFFFFFFF  }
0xb6: {  	_ =	strace $0x90000048  }
0xb7: {  	_ =	sfence  }
0xb8: {  	s30 =	sld [smem:$0x0];
	_ =	sdelay $0x2  }
0xb9: {  	s31 =	sshll.u32 s1, $0xD;
	s1 =	sshrl.u32 s1, $0x2  }
0xba: {  	s3 =	sand.u32 $0x4000, s31;
	s1 =	sadd.s32 s1, s30  }
0xbb: {  	s0 =	sor.u32 s3, s0;
	s1 =	sshll.u32 s1, $0x11  }
0xbc: {  	s0 =	sor.u32 s1, s0  }
0xbd: {  	s0 =	sadd.s32 $0x8F2B, s0  }
0xbe: {  	[sflag:s0] =	ssyncadd.remote.s32 $0x1  }
0xbf: {  	_ =	sfence.sel $0xFFFF  }
0xc0: {  	[dreg:$0x0] =	wrdreg $0xFFFFFFFF;
	(pc) =	sbr.abs _section_cstart, $3  }
0xc1: {  	[dreg:$0x1] =	wrdreg $0xFFFFFFFF  }
0xc2: {  	_ =	task.clear_ibuf [dreg:s7], $0x2FFFF;
	_ =	strace $0x9FFFFFFF  }
0xc3: {  	(tm) =	ssettm $0x7FFFFFFF  }
tec
execute0_lowered:
.L_overlay_start_1:
0x0: {  	(tag) =	ssettag $0x1  }
0x1: {  	s4 =	rddreg [dreg:$0x0]  }
0x2: {  	s7 =	rddreg [dreg:$0x1];
	s0 =	srdreg.scid  }
0x3: {  	s2 =	rddreg [dreg:$0x2];
	s1 =	stileid.u32  }
0x4: {  	s3 =	simm.s32 $0x0;
	s13 =	simm.s32 $0x70;
	s14 =	simm.s32 $0x1  }
0x5: {  	s15 =	simm.s32 $0x2;
	s16 =	simm.s32 $0x3;
	s17 =	simm.s32 $0x4  }
0x6: {  	s5 =	sand.u32 $0x1, s0;
	s0 =	rddreg [dreg:$0x3];
	s8 =	smul.u32 $0x2840, s1  }
0x7: {  	s18 =	simm.s32 $0x0;
	[smem:$0x7FF] =	sst s3;
	s9 =	smul.u32 $0x2780, s1  }
0x8: {  	s31 =	sshll.u32 s1, $0x6;
	s6 =	smul.u32 $0x28400, s5;
	_ =	strace $0x80000047  }
0x9: {  	s10 =	smul.u32 $0x27800, s5;
	s5 =	ssub.s32 $0x2, s5;
	s30 =	sshrl.u32 s9, $0x3  }
0xa: {  	s11 =	sshrl.u32 s5, $0x1;
	s12 =	sadd.s32 s9, s2;
	s6 =	sadd.s32 s8, s6  }
0xb: {  	s8 =	sadd.s32 s30, s4;
	s10 =	sadd.s32 s9, s10;
	s11 =	ssub.s32 s5, s11  }
0xc: {  	s9 =	simm.s32 $0x5;
	s12 =	sshrl.u32 s12, $0x3;
	s6 =	sshrl.u32 s6, $0x3  }
0xd: {  	s10 =	sshrl.u32 s10, $0x3;
	s6 =	sadd.s32 s6, s4;
	s4 =	sadd.s32 $0x10800, s4  }
0xe: {  	s7 =	sadd.s32 s7, s10;
	s10 =	simm.s32 $0x2840;
	s5 =	sadd.s32 $0x1600, s6  }
0xf: {  	s6 =	sadd.s32 $0xB800, s8;
	s8 =	smax.u32 s11, $0x1;
	s11 =	sor.u32 $0x1C05, s31  }
.LBB2_1:
0x10: {  	[tilespmem:s3], [sflag:$0x5] =	stream.linear.gather [hbm4b:s5+s3], $0x2840, $0x38;
	[tilespmem:$0x56C0] =	vst v63  }
0x11: {  	_ =	swait.ge [sflag:s9], $0x2840  }
0x12: {  	[sflag:s9] =	ssyncset.done $0x0  }
0x13: {  	[sflag:s9] =	ssyncadd.s32 $0xFFFFD7C0  }
0x14: {  	[tilespmem:s10], [sflag:$0x5] =	stream.linear.gather [hbm4b:s4+s3], $0x700, $0x38;
	[tilespmem:$0x56C0] =	vst v63  }
0x15: {  	_ =	swait.ge [sflag:s9], $0x700  }
0x16: {  	[sflag:s9] =	ssyncset.done $0x0  }
0x17: {  	[sflag:s9] =	ssyncadd.s32 $0xFFFFF900  }
0x18: {  	[spmem:s12], [sflag:s11] =	dma.local [hbm:s6], $0x4F0  }
0x19: {  	_ =	swait.ge [sflag:s9], $0x4F0  }
0x1a: {  	[sflag:s9] =	ssyncset.done $0x0  }
0x1b: {  	[sflag:s9] =	ssyncadd.s32 $0xFFFFFB10  }
0x1c: {  	s19 =	simm.s32 $0x0;
	[bflag:$0x0] =	sbarrier.arrive $0xFFFF  }
0x1d: {  	[spmem:s2] =	stream.indirect.scatter.add.f32 [tilespmem:s10], [sflag:$0x1], $0x10, s19, s13, $0xb8;
	[tilespmem:$0x56C0] =	vst v63  }
0x1e: {  	s29 =	simm.s32 $0x70  }
0x1f: {  	[spmem:s2] =	stream.indirect.scatter.add.f32 [tilespmem:s10], [sflag:$0x2], $0x10, s29, s13, $0xb8;
	[tilespmem:$0x56C0] =	vst v63  }
0x20: {  	s30 =	simm.s32 $0xE0  }
0x21: {  	[spmem:s2] =	stream.indirect.scatter.add.f32 [tilespmem:s10], [sflag:$0x3], $0x10, s30, s13, $0xb8;
	[tilespmem:$0x56C0] =	vst v63  }
0x22: {  	s31 =	simm.s32 $0x150  }
0x23: {  	[spmem:s2] =	stream.indirect.scatter.add.f32 [tilespmem:s10], [sflag:$0x4], $0x10, s31, s13, $0xb8;
	[tilespmem:$0x56C0] =	vst v63  }
0x24: {  	_ =	swait.ge [sflag:s14], $0x700  }
0x25: {  	[sflag:s14] =	ssyncset.done $0x0  }
0x26: {  	[sflag:s14] =	ssyncadd.s32 $0xFFFFF900  }
0x27: {  	_ =	swait.ge [sflag:s15], $0x700  }
0x28: {  	[sflag:s15] =	ssyncset.done $0x0  }
0x29: {  	[sflag:s15] =	ssyncadd.s32 $0xFFFFF900  }
0x2a: {  	_ =	swait.ge [sflag:s16], $0x700  }
0x2b: {  	[sflag:s16] =	ssyncset.done $0x0  }
0x2c: {  	[sflag:s16] =	ssyncadd.s32 $0xFFFFF900  }
0x2d: {  	_ =	swait.ge [sflag:s17], $0x700  }
0x2e: {  	s20 =	simm.s32 $0xE00;
	s19 =	simm.s32 $0x700;
	[sflag:s17] =	ssyncset.done $0x0  }
.LBB2_2:
0x2f: {  	s21 =	sshra.s32 s19, $0x2  }
0x30: {  	[sflag:s17] =	ssyncadd.s32 $0xFFFFF900;
	s19 =	smov.u32 s20;
	s22 =	sadd.s32 $0x700, s20  }
0x31: {  	[spmem:s2] =	stream.indirect.scatter.add.f32 [tilespmem:s10], [sflag:$0x1], $0x10, s21, s13, $0xb8;
	[tilespmem:$0x56C0] =	vst v63  }
0x32: {  	p0 =	sne.s32 s20, $0x9A00;
	s20 =	sadd.s32 $0x70, s21  }
0x33: {  	[spmem:s2] =	stream.indirect.scatter.add.f32 [tilespmem:s10], [sflag:$0x2], $0x10, s20, s13, $0xb8;
	[tilespmem:$0x56C0] =	vst v63  }
0x34: {  	s20 =	sadd.s32 $0xE0, s21  }
0x35: {  	[spmem:s2] =	stream.indirect.scatter.add.f32 [tilespmem:s10], [sflag:$0x3], $0x10, s20, s13, $0xb8;
	[tilespmem:$0x56C0] =	vst v63  }
0x36: {  	s20 =	sadd.s32 $0x150, s21  }
0x37: {  	[spmem:s2] =	stream.indirect.scatter.add.f32 [tilespmem:s10], [sflag:$0x4], $0x10, s20, s13, $0xb8;
	[tilespmem:$0x56C0] =	vst v63  }
0x38: {  	_ =	swait.ge [sflag:s14], $0x700  }
0x39: {  	[sflag:s14] =	ssyncset.done $0x0  }
0x3a: {  	[sflag:s14] =	ssyncadd.s32 $0xFFFFF900  }
0x3b: {  	_ =	swait.ge [sflag:s15], $0x700  }
0x3c: {  	[sflag:s15] =	ssyncset.done $0x0  }
0x3d: {  	[sflag:s15] =	ssyncadd.s32 $0xFFFFF900  }
.Ltmp0:
0x3e: {  	_ =	swait.ge [sflag:s16], $0x700;
	(pc) =	sbr.rel @p0 .LBB2_2-.Ltmp0, $4  }
0x3f: {  	[sflag:s16] =	ssyncset.done $0x0  }
0x40: {  	[sflag:s16] =	ssyncadd.s32 $0xFFFFF900  }
0x41: {  	_ =	swait.ge [sflag:s17], $0x700  }
0x42: {  	s20 =	smov.u32 s22;
	[sflag:s17] =	ssyncset.done $0x0  }
0x43: {  	s19 =	sshra.s32 s19, $0x2;
	[sflag:s17] =	ssyncadd.s32 $0xFFFFF900  }
0x44: {  	[spmem:s2] =	stream.indirect.scatter.add.f32 [tilespmem:s10], [sflag:$0x1], $0x10, s19, s13, $0xb8;
	[tilespmem:$0x56C0] =	vst v63  }
0x45: {  	s20 =	sadd.s32 $0x70, s19  }
0x46: {  	[spmem:s2] =	stream.indirect.scatter.add.f32 [tilespmem:s10], [sflag:$0x2], $0x10, s20, s13, $0xb8;
	[tilespmem:$0x56C0] =	vst v63  }
0x47: {  	s31 =	sadd.s32 $0xE0, s19  }
0x48: {  	[spmem:s2] =	stream.indirect.scatter.add.f32 [tilespmem:s10], [sflag:$0x3], $0x10, s31, s13, $0xb8;
	[tilespmem:$0x56C0] =	vst v63  }
0x49: {  	s19 =	sadd.s32 $0x150, s19  }
0x4a: {  	[spmem:s2] =	stream.indirect.scatter.add.f32 [tilespmem:s10], [sflag:$0x4], $0x10, s19, s13, $0xb8;
	[tilespmem:$0x56C0] =	vst v63  }
0x4b: {  	_ =	swait.ge [sflag:s14], $0x700  }
0x4c: {  	[sflag:s14] =	ssyncset.done $0x0  }
0x4d: {  	[sflag:s14] =	ssyncadd.s32 $0xFFFFF900  }
0x4e: {  	_ =	swait.ge [sflag:s15], $0x700  }
0x4f: {  	[sflag:s15] =	ssyncset.done $0x0  }
0x50: {  	[sflag:s15] =	ssyncadd.s32 $0xFFFFF900  }
0x51: {  	_ =	swait.ge [sflag:s16], $0x700  }
0x52: {  	[sflag:s16] =	ssyncset.done $0x0  }
0x53: {  	[sflag:s16] =	ssyncadd.s32 $0xFFFFF900  }
0x54: {  	_ =	swait.ge [sflag:s17], $0x700  }
0x55: {  	s18 =	sadd.s32 $0x1, s18;
	[sflag:s17] =	ssyncset.done $0x0  }
0x56: {  	p0 =	sne.s32 s18, s8;
	[sflag:s17] =	ssyncadd.s32 $0xFFFFF900  }
.Ltmp1:
0x57: {  	[bflag:$0x0] =	sbarrier.arrive $0xFFFF;
	(pc) =	sbr.rel @p0 .LBB2_1-.Ltmp1, $4  }
0x58: {  	[hbm:s7], [sflag:s11] =	dma.local [spmem:s12], $0x4F0  }
0x59: {  	_ =	swait.ge [sflag:s9], $0x4F0  }
0x5a: {  	[sflag:s9] =	ssyncset.done $0x0  }
0x5b: {  	[sflag:s9] =	ssyncadd.s32 $0xFFFFFB10  }
0x5c: {  	_ =	sfence.sel $0x180000  }
0x5d: {  	[bflag:$0x0] =	sbarrier.arrive $0xFFFF  }
0x5e: {  	p0 =	sne.s32 s1, $0x0;
	_ =	strace $0x90000047  }
0x5f: {  	s0 =	sadd.s32 @!p0 $0x100000, s0;
	[bflag:$0x2] =	sbarrier.arrive $0xFFFF  }
0x60: {  	[sflag:s0] =	ssyncadd.tile.s32 @!p0 $0x1;
	_ =	shalt  }
.Lfunc_end2:
_tile_overlayer_lowered:
.L_overlay_start_2:
0x61: {  	(tag) =	ssettag $0x2  }
0x62: {  	s0 =	rddreg [dreg:$0x0];
	s2 =	stileid.u32  }
0x63: {  	s1 =	rddreg [dreg:$0x1];
	p0 =	sne.s32 s2, $0x0  }
0x64: {  	s3 =	rddreg [dreg:$0x2];
	[bflag:$0x3] =	sbarrier.arrive $0xFFFF;
	s2 =	simm.s32 @!p0 $0x1C05  }
0x65: {  	[timem:s3], [sflag:s2] =	dma.local @!p0 [hbm:s0], s1  }
0x66: {  	s0 =	simm.s32 @!p0 $0x5  }
0x67: {  	_ =	swait.ge @!p0 [sflag:s0], s1  }
0x68: {  	s1 =	ssub.s32 @!p0 $0x0, s1;
	[sflag:s0] =	ssyncset.done @!p0 $0x0  }
0x69: {  	[sflag:s0] =	ssyncadd.s32 @!p0 s1  }
0x6a: {  	[bflag:$0x3] =	sbarrier.arrive $0xFFFF  }
0x6b: {  	_ =	shalt  }

</sc_bundles>
